<compile_context>
chip_gen: v7x
topology: tpu7x:2x2x1
jax: 0.10.2.dev20260603
libtpu: 0.0.44.dev20260713+nightly
codegen_flags: <defaults>
</compile_context>

<pallas_src>
import jax
import jax.numpy as jnp
from jax import lax
from jax.experimental import pallas as pl
from jax.experimental.pallas import tpu as pltpu
from jax.experimental.pallas import tpu_sc as plsc
from jax._src.pallas import mpmd as _pl_mpmd


def _zero_fill(B, W):

    def body(o_ref):
        o_ref[...] = jnp.zeros_like(o_ref)

    blk = 64
    return pl.pallas_call(
        body,
        out_shape=jax.ShapeDtypeStruct((B, W), jnp.float32),
        grid=(B // blk,),
        out_specs=pl.BlockSpec((blk, W), lambda i: (i, 0)),
    )()


def _build_scatter(B, D, H):
    NC, NS, L = 2, 16, 16
    NW = NC * NS
    N = B * H
    E = N // NW
    G = E // 128
    assert E % 128 == 0 and N % NW == 0

    mesh = plsc.VectorSubcoreMesh(
        core_axis_name="c", subcore_axis_name="s", num_cores=NC, num_subcores=NS
    )

    def scatter(z_hbm, x_hbm, out_ref, xv, addrv, onesv, sem):
        del z_hbm
        wid = lax.axis_index("s") * NC + lax.axis_index("c")
        base = wid * E
        pltpu.sync_copy(x_hbm.at[pl.ds(base, E)], xv)

        for t in range(128 // L):
            onesv[pl.ds(t * L, L)] = jnp.full((L,), 1.0, jnp.float32)

        def fill_group(g, carry):
            for kk in range(128 // L):
                off = g * 128 + kk * L
                i = base + off + lax.iota(jnp.int32, L)
                x = xv[pl.ds(off, L)]
                b = ((i.astype(jnp.float32) + 0.5) * (1.0 / H)).astype(
                    jnp.int32
                )
                h = i - b * H
                addrv[g, pl.ds(kk * L, L)] = b * (D * H) + x * H + h
            return carry

        lax.fori_loop(0, G, fill_group, 0)

        descs = [
            pltpu.async_copy(onesv, out_ref.at[addrv.at[j]], sem)
            for j in range(G)
        ]
        for d in descs:
            d.wait()

    return _pl_mpmd._mpmd_map(
        [(mesh, scatter)],
        jax.ShapeDtypeStruct((B * D * H,), jnp.float32),
        input_output_aliases={0: 0},
        scratch_types=[
            pltpu.VMEM((E,), jnp.int32),
            pltpu.VMEM((G, 128), jnp.int32),
            pltpu.VMEM((128,), jnp.float32),
            pltpu.SemaphoreType.DMA,
        ],
    )


def kernel(X_in, ones):
    D = ones.shape[0]
    B, H = X_in.shape
    zeros = _zero_fill(B, D * H).reshape(B * D * H)
    out = _build_scatter(B, D, H)(zeros, X_in.reshape(B * H))
    return out.reshape(B, D, H)

# --- scband reference (transcript-rebuilt; emitter-appended) ---
"""Pipeline reference for scband-one-hot-58548994179419 (READ-ONLY COPY).

The authoritative reference and input builder live on the scoring server;
editing this copy changes nothing except your own understanding.
"""

import jax, jax.numpy as jnp
import numpy as np

DEPTH = 1000
BATCH = 4096
HIST = 20


def setup_inputs(seed: int = 0) -> dict:
    key = jax.random.key(seed)
    k1, k2 = jax.random.split(key)
    X_in = jax.random.randint(k1, (BATCH, HIST), 0, DEPTH, dtype=jnp.int32)
    # learned/constant parameter: identity one-hot table (torch.eye(depth))
    ones = jnp.eye(DEPTH, dtype=jnp.float32)
    return {"X_in": X_in, "ones": ones}


def reference(X_in, ones):
    # Faithful translation of One_Hot.forward
    n_dim = X_in.ndim
    depth = ones.shape[0]
    num_element = X_in.size
    flat = X_in.astype(jnp.int32).reshape(num_element)
    # self.ones.index_select(0, X_in).view(output_size)
    out = jnp.take(ones, flat, axis=0).reshape(X_in.shape + (depth,))
    # out.permute(0, -1, *range(1, n_dim))
    perm = (0, n_dim) + tuple(range(1, n_dim))
    out1 = jnp.transpose(out, perm)
    # .squeeze(dim=2): torch squeeze(dim) is a no-op unless that dim has size 1
    if out1.ndim > 2 and out1.shape[2] == 1:
        out1 = jnp.squeeze(out1, axis=2)
    return out1.astype(jnp.float32)

if __name__ == "__main__":
    import jax
    _d = setup_inputs()
    print(jax.jit(kernel)(*tuple(_d.values())))

</pallas_src>

<mosaic_0001>
#map = affine_map<(d0, d1) -> (0)>
module attributes {stable_mosaic.version = 14 : i64} {
  func.func @scatter(%arg0: i32, %arg1: i32, %arg2: memref<81920000xf32, #tpu.memory_space<hbm>>, %arg3: memref<81920xi32, #tpu.memory_space<hbm>>, %arg4: memref<81920000xf32, #tpu.memory_space<hbm>>, %arg5: memref<2560xi32, #tpu.memory_space<vmem>>, %arg6: memref<20x128xi32, #tpu.memory_space<vmem>>, %arg7: memref<128xf32, #tpu.memory_space<vmem>>, %arg8: memref<!tpu.dma_semaphore, #tpu.memory_space<semaphore_mem>>) attributes {dimension_semantics = [#tpu.dimension_semantics<core_parallel>, #tpu.dimension_semantics<subcore_parallel>], iteration_bounds = array<i64: 2, 16>, scalar_prefetch = 0 : i64, scratch_operands = 4 : i64, tpu.core_type = #tpu.core_type<sc_vector_subcore>, window_params = [{transform_indices = #map}, {transform_indices = #map}, {transform_indices = #map}]} {
    %mul3A = arith.constant 2 : i32
    %mul3A_0 = arith.muli %arg1, %mul3A : i32
    %add3A = arith.addi %mul3A_0, %arg0 : i32
    %mul3A_1 = arith.constant 2560 : i32
    %mul3A_2 = arith.muli %add3A, %mul3A_1 : i32
    "tpu.region"() ({
      %run_scoped3A = tpu.sem_alloc : memref<!tpu.dma_semaphore, #tpu.memory_space<semaphore_mem>>
      %dma_start3A_292 = tpu.memref_slice %arg3[%mul3A_2] : memref<81920xi32, #tpu.memory_space<hbm>> -> memref<2560xi32, #tpu.memory_space<hbm>>
      %dma_start3A_293 = tpu.memref_slice %arg3[%mul3A_2] : memref<81920xi32, #tpu.memory_space<hbm>> -> memref<2560xi32, #tpu.memory_space<hbm>>
      tpu.enqueue_dma source(%dma_start3A_293 : memref<2560xi32, #tpu.memory_space<hbm>>) target(%arg5 : memref<2560xi32, #tpu.memory_space<vmem>>) target_semaphore(%run_scoped3A : memref<!tpu.dma_semaphore, #tpu.memory_space<semaphore_mem>>)
      %dma_wait3A_294 = tpu.memref_slice %arg3[%mul3A_2] : memref<81920xi32, #tpu.memory_space<hbm>> -> memref<2560xi32, #tpu.memory_space<hbm>>
      %dma_wait3A_295 = tpu.memref_slice %arg3[%mul3A_2] : memref<81920xi32, #tpu.memory_space<hbm>> -> memref<2560xi32, #tpu.memory_space<hbm>>
      tpu.wait_dma2 semaphore(%run_scoped3A : memref<!tpu.dma_semaphore, #tpu.memory_space<semaphore_mem>>) src(%dma_wait3A_295 : memref<2560xi32, #tpu.memory_space<hbm>>) dst(%arg5 : memref<2560xi32, #tpu.memory_space<vmem>>)
      tpu.yield
    }) : () -> ()
    %broadcast_in_dim3A = arith.constant 1.000000e+00 : f32
    %broadcast_in_dim3A_3 = vector.broadcast %broadcast_in_dim3A : f32 to vector<16xf32>
    %swap3A = arith.constant 0 : index
    %swap3A_4 = tpu.vector_load %arg7[%swap3A] {strides = array<i32>} : memref<128xf32, #tpu.memory_space<vmem>>, vector<16xf32>,
    %swap3A_5 = vector.shape_cast %swap3A_4 : vector<16xf32> to vector<16xf32>
    %swap3A_6 = vector.shape_cast %broadcast_in_dim3A_3 : vector<16xf32> to vector<16xf32>
    tpu.vector_store %arg7[%swap3A], %swap3A_6 {strides = array<i32>} : memref<128xf32, #tpu.memory_space<vmem>>, vector<16xf32>,
    %broadcast_in_dim3A_7 = arith.constant 1.000000e+00 : f32
    %broadcast_in_dim3A_8 = vector.broadcast %broadcast_in_dim3A_7 : f32 to vector<16xf32>
    %swap3A_9 = arith.constant 16 : index
    %swap3A_10 = tpu.vector_load %arg7[%swap3A_9] {strides = array<i32>} : memref<128xf32, #tpu.memory_space<vmem>>, vector<16xf32>,
    %swap3A_11 = vector.shape_cast %swap3A_10 : vector<16xf32> to vector<16xf32>
    %swap3A_12 = vector.shape_cast %broadcast_in_dim3A_8 : vector<16xf32> to vector<16xf32>
    tpu.vector_store %arg7[%swap3A_9], %swap3A_12 {strides = array<i32>} : memref<128xf32, #tpu.memory_space<vmem>>, vector<16xf32>,
    %broadcast_in_dim3A_13 = arith.constant 1.000000e+00 : f32
    %broadcast_in_dim3A_14 = vector.broadcast %broadcast_in_dim3A_13 : f32 to vector<16xf32>
    %swap3A_15 = arith.constant 32 : index
    %swap3A_16 = tpu.vector_load %arg7[%swap3A_15] {strides = array<i32>} : memref<128xf32, #tpu.memory_space<vmem>>, vector<16xf32>,
    %swap3A_17 = vector.shape_cast %swap3A_16 : vector<16xf32> to vector<16xf32>
    %swap3A_18 = vector.shape_cast %broadcast_in_dim3A_14 : vector<16xf32> to vector<16xf32>
    tpu.vector_store %arg7[%swap3A_15], %swap3A_18 {strides = array<i32>} : memref<128xf32, #tpu.memory_space<vmem>>, vector<16xf32>,
    %broadcast_in_dim3A_19 = arith.constant 1.000000e+00 : f32
    %broadcast_in_dim3A_20 = vector.broadcast %broadcast_in_dim3A_19 : f32 to vector<16xf32>
    %swap3A_21 = arith.constant 48 : index
    %swap3A_22 = tpu.vector_load %arg7[%swap3A_21] {strides = array<i32>} : memref<128xf32, #tpu.memory_space<vmem>>, vector<16xf32>,
    %swap3A_23 = vector.shape_cast %swap3A_22 : vector<16xf32> to vector<16xf32>
    %swap3A_24 = vector.shape_cast %broadcast_in_dim3A_20 : vector<16xf32> to vector<16xf32>
    tpu.vector_store %arg7[%swap3A_21], %swap3A_24 {strides = array<i32>} : memref<128xf32, #tpu.memory_space<vmem>>, vector<16xf32>,
    %broadcast_in_dim3A_25 = arith.constant 1.000000e+00 : f32
    %broadcast_in_dim3A_26 = vector.broadcast %broadcast_in_dim3A_25 : f32 to vector<16xf32>
    %swap3A_27 = arith.constant 64 : index
    %swap3A_28 = tpu.vector_load %arg7[%swap3A_27] {strides = array<i32>} : memref<128xf32, #tpu.memory_space<vmem>>, vector<16xf32>,
    %swap3A_29 = vector.shape_cast %swap3A_28 : vector<16xf32> to vector<16xf32>
    %swap3A_30 = vector.shape_cast %broadcast_in_dim3A_26 : vector<16xf32> to vector<16xf32>
    tpu.vector_store %arg7[%swap3A_27], %swap3A_30 {strides = array<i32>} : memref<128xf32, #tpu.memory_space<vmem>>, vector<16xf32>,
    %broadcast_in_dim3A_31 = arith.constant 1.000000e+00 : f32
    %broadcast_in_dim3A_32 = vector.broadcast %broadcast_in_dim3A_31 : f32 to vector<16xf32>
    %swap3A_33 = arith.constant 80 : index
    %swap3A_34 = tpu.vector_load %arg7[%swap3A_33] {strides = array<i32>} : memref<128xf32, #tpu.memory_space<vmem>>, vector<16xf32>,
    %swap3A_35 = vector.shape_cast %swap3A_34 : vector<16xf32> to vector<16xf32>
    %swap3A_36 = vector.shape_cast %broadcast_in_dim3A_32 : vector<16xf32> to vector<16xf32>
    tpu.vector_store %arg7[%swap3A_33], %swap3A_36 {strides = array<i32>} : memref<128xf32, #tpu.memory_space<vmem>>, vector<16xf32>,
    %broadcast_in_dim3A_37 = arith.constant 1.000000e+00 : f32
    %broadcast_in_dim3A_38 = vector.broadcast %broadcast_in_dim3A_37 : f32 to vector<16xf32>
    %swap3A_39 = arith.constant 96 : index
    %swap3A_40 = tpu.vector_load %arg7[%swap3A_39] {strides = array<i32>} : memref<128xf32, #tpu.memory_space<vmem>>, vector<16xf32>,
    %swap3A_41 = vector.shape_cast %swap3A_40 : vector<16xf32> to vector<16xf32>
    %swap3A_42 = vector.shape_cast %broadcast_in_dim3A_38 : vector<16xf32> to vector<16xf32>
    tpu.vector_store %arg7[%swap3A_39], %swap3A_42 {strides = array<i32>} : memref<128xf32, #tpu.memory_space<vmem>>, vector<16xf32>,
    %broadcast_in_dim3A_43 = arith.constant 1.000000e+00 : f32
    %broadcast_in_dim3A_44 = vector.broadcast %broadcast_in_dim3A_43 : f32 to vector<16xf32>
    %swap3A_45 = arith.constant 112 : index
    %swap3A_46 = tpu.vector_load %arg7[%swap3A_45] {strides = array<i32>} : memref<128xf32, #tpu.memory_space<vmem>>, vector<16xf32>,
    %swap3A_47 = vector.shape_cast %swap3A_46 : vector<16xf32> to vector<16xf32>
    %swap3A_48 = vector.shape_cast %broadcast_in_dim3A_44 : vector<16xf32> to vector<16xf32>
    tpu.vector_store %arg7[%swap3A_45], %swap3A_48 {strides = array<i32>} : memref<128xf32, #tpu.memory_space<vmem>>, vector<16xf32>,
    %scan3A = arith.constant 0 : i32
    %scan3A_49 = arith.constant 0 : i32
    %scan3A_50 = arith.constant 20 : i32
    %scan3A_51 = arith.addi %scan3A_49, %scan3A_50 : i32
    %scan3A_52 = arith.constant 1 : i32
    scf.for %scan3A_292 = %scan3A_49 to %scan3A_51 step %scan3A_52  : i32 {
      %mul3A_293 = arith.constant 128 : i32
      %mul3A_294 = arith.muli %scan3A_292, %mul3A_293 : i32
      %add3A_295 = arith.constant 0 : i32
      %add3A_296 = arith.addi %mul3A_294, %add3A_295 : i32
      %add3A_297 = arith.addi %mul3A_2, %add3A_296 : i32
      %iota3A = tpu.iota {dimensions = array<i32: 0>} : vector<16xi32>
      %add3A_298 = vector.broadcast %add3A_297 : i32 to vector<16xi32>
      %add3A_299 = arith.addi %add3A_298, %iota3A : vector<16xi32>
      %get3A = arith.index_cast %add3A_296 : i32 to index
      %get3A_300 = tpu.vector_load %arg5[%get3A] {strides = array<i32>} : memref<2560xi32, #tpu.memory_space<vmem>>, vector<16xi32>,
      %get3A_301 = vector.shape_cast %get3A_300 : vector<16xi32> to vector<16xi32>
      %convert_element_type3A = arith.sitofp %add3A_299 : vector<16xi32> to vector<16xf32>
      %add3A_302 = arith.constant 5.000000e-01 : f32
      %add3A_303 = vector.broadcast %add3A_302 : f32 to vector<16xf32>
      %add3A_304 = arith.addf %convert_element_type3A, %add3A_303 : vector<16xf32>
      %mul3A_305 = arith.constant 5.000000e-02 : f32
      %mul3A_306 = vector.broadcast %mul3A_305 : f32 to vector<16xf32>
      %mul3A_307 = arith.mulf %add3A_304, %mul3A_306 : vector<16xf32>
      %convert_element_type3A_308 = arith.fptosi %mul3A_307 : vector<16xf32> to vector<16xi32>
      %mul3A_309 = arith.constant 20 : i32
      %mul3A_310 = vector.broadcast %mul3A_309 : i32 to vector<16xi32>
      %mul3A_311 = arith.muli %convert_element_type3A_308, %mul3A_310 : vector<16xi32>
      %sub3A = arith.subi %add3A_299, %mul3A_311 : vector<16xi32>
      %mul3A_312 = arith.constant 20000 : i32
      %mul3A_313 = vector.broadcast %mul3A_312 : i32 to vector<16xi32>
      %mul3A_314 = arith.muli %convert_element_type3A_308, %mul3A_313 : vector<16xi32>
      %mul3A_315 = arith.constant 20 : i32
      %mul3A_316 = vector.broadcast %mul3A_315 : i32 to vector<16xi32>
      %mul3A_317 = arith.muli %get3A_301, %mul3A_316 : vector<16xi32>
      %add3A_318 = arith.addi %mul3A_314, %mul3A_317 : vector<16xi32>
      %add3A_319 = arith.addi %add3A_318, %sub3A : vector<16xi32>
      %swap3A_320 = arith.index_cast %scan3A_292 : i32 to index
      %swap3A_321 = arith.constant 0 : index
      %swap3A_322 = tpu.vector_load %arg6[%swap3A_320, %swap3A_321] {strides = array<i32>} : memref<20x128xi32, #tpu.memory_space<vmem>>, vector<1x16xi32>,
      %swap3A_323 = vector.shape_cast %swap3A_322 : vector<1x16xi32> to vector<16xi32>
      %swap3A_324 = vector.shape_cast %add3A_319 : vector<16xi32> to vector<1x16xi32>
      tpu.vector_store %arg6[%swap3A_320, %swap3A_321], %swap3A_324 {strides = array<i32>} : memref<20x128xi32, #tpu.memory_space<vmem>>, vector<1x16xi32>,
      %mul3A_325 = arith.constant 128 : i32
      %mul3A_326 = arith.muli %scan3A_292, %mul3A_325 : i32
      %add3A_327 = arith.constant 16 : i32
      %add3A_328 = arith.addi %mul3A_326, %add3A_327 : i32
      %add3A_329 = arith.addi %mul3A_2, %add3A_328 : i32
      %iota3A_330 = tpu.iota {dimensions = array<i32: 0>} : vector<16xi32>
      %add3A_331 = vector.broadcast %add3A_329 : i32 to vector<16xi32>
      %add3A_332 = arith.addi %add3A_331, %iota3A_330 : vector<16xi32>
      %get3A_333 = arith.index_cast %add3A_328 : i32 to index
      %get3A_334 = tpu.vector_load %arg5[%get3A_333] {strides = array<i32>} : memref<2560xi32, #tpu.memory_space<vmem>>, vector<16xi32>,
      %get3A_335 = vector.shape_cast %get3A_334 : vector<16xi32> to vector<16xi32>
      %convert_element_type3A_336 = arith.sitofp %add3A_332 : vector<16xi32> to vector<16xf32>
      %add3A_337 = arith.constant 5.000000e-01 : f32
      %add3A_338 = vector.broadcast %add3A_337 : f32 to vector<16xf32>
      %add3A_339 = arith.addf %convert_element_type3A_336, %add3A_338 : vector<16xf32>
      %mul3A_340 = arith.constant 5.000000e-02 : f32
      %mul3A_341 = vector.broadcast %mul3A_340 : f32 to vector<16xf32>
      %mul3A_342 = arith.mulf %add3A_339, %mul3A_341 : vector<16xf32>
      %convert_element_type3A_343 = arith.fptosi %mul3A_342 : vector<16xf32> to vector<16xi32>
      %mul3A_344 = arith.constant 20 : i32
      %mul3A_345 = vector.broadcast %mul3A_344 : i32 to vector<16xi32>
      %mul3A_346 = arith.muli %convert_element_type3A_343, %mul3A_345 : vector<16xi32>
      %sub3A_347 = arith.subi %add3A_332, %mul3A_346 : vector<16xi32>
      %mul3A_348 = arith.constant 20000 : i32
      %mul3A_349 = vector.broadcast %mul3A_348 : i32 to vector<16xi32>
      %mul3A_350 = arith.muli %convert_element_type3A_343, %mul3A_349 : vector<16xi32>
      %mul3A_351 = arith.constant 20 : i32
      %mul3A_352 = vector.broadcast %mul3A_351 : i32 to vector<16xi32>
      %mul3A_353 = arith.muli %get3A_335, %mul3A_352 : vector<16xi32>
      %add3A_354 = arith.addi %mul3A_350, %mul3A_353 : vector<16xi32>
      %add3A_355 = arith.addi %add3A_354, %sub3A_347 : vector<16xi32>
      %swap3A_356 = arith.index_cast %scan3A_292 : i32 to index
      %swap3A_357 = arith.constant 16 : index
      %swap3A_358 = tpu.vector_load %arg6[%swap3A_356, %swap3A_357] {strides = array<i32>} : memref<20x128xi32, #tpu.memory_space<vmem>>, vector<1x16xi32>,
      %swap3A_359 = vector.shape_cast %swap3A_358 : vector<1x16xi32> to vector<16xi32>
      %swap3A_360 = vector.shape_cast %add3A_355 : vector<16xi32> to vector<1x16xi32>
      tpu.vector_store %arg6[%swap3A_356, %swap3A_357], %swap3A_360 {strides = array<i32>} : memref<20x128xi32, #tpu.memory_space<vmem>>, vector<1x16xi32>,
      %mul3A_361 = arith.constant 128 : i32
      %mul3A_362 = arith.muli %scan3A_292, %mul3A_361 : i32
      %add3A_363 = arith.constant 32 : i32
      %add3A_364 = arith.addi %mul3A_362, %add3A_363 : i32
      %add3A_365 = arith.addi %mul3A_2, %add3A_364 : i32
      %iota3A_366 = tpu.iota {dimensions = array<i32: 0>} : vector<16xi32>
      %add3A_367 = vector.broadcast %add3A_365 : i32 to vector<16xi32>
      %add3A_368 = arith.addi %add3A_367, %iota3A_366 : vector<16xi32>
      %get3A_369 = arith.index_cast %add3A_364 : i32 to index
      %get3A_370 = tpu.vector_load %arg5[%get3A_369] {strides = array<i32>} : memref<2560xi32, #tpu.memory_space<vmem>>, vector<16xi32>,
      %get3A_371 = vector.shape_cast %get3A_370 : vector<16xi32> to vector<16xi32>
      %convert_element_type3A_372 = arith.sitofp %add3A_368 : vector<16xi32> to vector<16xf32>
      %add3A_373 = arith.constant 5.000000e-01 : f32
      %add3A_374 = vector.broadcast %add3A_373 : f32 to vector<16xf32>
      %add3A_375 = arith.addf %convert_element_type3A_372, %add3A_374 : vector<16xf32>
      %mul3A_376 = arith.constant 5.000000e-02 : f32
      %mul3A_377 = vector.broadcast %mul3A_376 : f32 to vector<16xf32>
      %mul3A_378 = arith.mulf %add3A_375, %mul3A_377 : vector<16xf32>
      %convert_element_type3A_379 = arith.fptosi %mul3A_378 : vector<16xf32> to vector<16xi32>
      %mul3A_380 = arith.constant 20 : i32
      %mul3A_381 = vector.broadcast %mul3A_380 : i32 to vector<16xi32>
      %mul3A_382 = arith.muli %convert_element_type3A_379, %mul3A_381 : vector<16xi32>
      %sub3A_383 = arith.subi %add3A_368, %mul3A_382 : vector<16xi32>
      %mul3A_384 = arith.constant 20000 : i32
      %mul3A_385 = vector.broadcast %mul3A_384 : i32 to vector<16xi32>
      %mul3A_386 = arith.muli %convert_element_type3A_379, %mul3A_385 : vector<16xi32>
      %mul3A_387 = arith.constant 20 : i32
      %mul3A_388 = vector.broadcast %mul3A_387 : i32 to vector<16xi32>
      %mul3A_389 = arith.muli %get3A_371, %mul3A_388 : vector<16xi32>
      %add3A_390 = arith.addi %mul3A_386, %mul3A_389 : vector<16xi32>
      %add3A_391 = arith.addi %add3A_390, %sub3A_383 : vector<16xi32>
      %swap3A_392 = arith.index_cast %scan3A_292 : i32 to index
      %swap3A_393 = arith.constant 32 : index
      %swap3A_394 = tpu.vector_load %arg6[%swap3A_392, %swap3A_393] {strides = array<i32>} : memref<20x128xi32, #tpu.memory_space<vmem>>, vector<1x16xi32>,
      %swap3A_395 = vector.shape_cast %swap3A_394 : vector<1x16xi32> to vector<16xi32>
      %swap3A_396 = vector.shape_cast %add3A_391 : vector<16xi32> to vector<1x16xi32>
      tpu.vector_store %arg6[%swap3A_392, %swap3A_393], %swap3A_396 {strides = array<i32>} : memref<20x128xi32, #tpu.memory_space<vmem>>, vector<1x16xi32>,
      %mul3A_397 = arith.constant 128 : i32
      %mul3A_398 = arith.muli %scan3A_292, %mul3A_397 : i32
      %add3A_399 = arith.constant 48 : i32
      %add3A_400 = arith.addi %mul3A_398, %add3A_399 : i32
      %add3A_401 = arith.addi %mul3A_2, %add3A_400 : i32
      %iota3A_402 = tpu.iota {dimensions = array<i32: 0>} : vector<16xi32>
      %add3A_403 = vector.broadcast %add3A_401 : i32 to vector<16xi32>
      %add3A_404 = arith.addi %add3A_403, %iota3A_402 : vector<16xi32>
      %get3A_405 = arith.index_cast %add3A_400 : i32 to index
      %get3A_406 = tpu.vector_load %arg5[%get3A_405] {strides = array<i32>} : memref<2560xi32, #tpu.memory_space<vmem>>, vector<16xi32>,
      %get3A_407 = vector.shape_cast %get3A_406 : vector<16xi32> to vector<16xi32>
      %convert_element_type3A_408 = arith.sitofp %add3A_404 : vector<16xi32> to vector<16xf32>
      %add3A_409 = arith.constant 5.000000e-01 : f32
      %add3A_410 = vector.broadcast %add3A_409 : f32 to vector<16xf32>
      %add3A_411 = arith.addf %convert_element_type3A_408, %add3A_410 : vector<16xf32>
      %mul3A_412 = arith.constant 5.000000e-02 : f32
      %mul3A_413 = vector.broadcast %mul3A_412 : f32 to vector<16xf32>
      %mul3A_414 = arith.mulf %add3A_411, %mul3A_413 : vector<16xf32>
      %convert_element_type3A_415 = arith.fptosi %mul3A_414 : vector<16xf32> to vector<16xi32>
      %mul3A_416 = arith.constant 20 : i32
      %mul3A_417 = vector.broadcast %mul3A_416 : i32 to vector<16xi32>
      %mul3A_418 = arith.muli %convert_element_type3A_415, %mul3A_417 : vector<16xi32>
      %sub3A_419 = arith.subi %add3A_404, %mul3A_418 : vector<16xi32>
      %mul3A_420 = arith.constant 20000 : i32
      %mul3A_421 = vector.broadcast %mul3A_420 : i32 to vector<16xi32>
      %mul3A_422 = arith.muli %convert_element_type3A_415, %mul3A_421 : vector<16xi32>
      %mul3A_423 = arith.constant 20 : i32
      %mul3A_424 = vector.broadcast %mul3A_423 : i32 to vector<16xi32>
      %mul3A_425 = arith.muli %get3A_407, %mul3A_424 : vector<16xi32>
      %add3A_426 = arith.addi %mul3A_422, %mul3A_425 : vector<16xi32>
      %add3A_427 = arith.addi %add3A_426, %sub3A_419 : vector<16xi32>
      %swap3A_428 = arith.index_cast %scan3A_292 : i32 to index
      %swap3A_429 = arith.constant 48 : index
      %swap3A_430 = tpu.vector_load %arg6[%swap3A_428, %swap3A_429] {strides = array<i32>} : memref<20x128xi32, #tpu.memory_space<vmem>>, vector<1x16xi32>,
      %swap3A_431 = vector.shape_cast %swap3A_430 : vector<1x16xi32> to vector<16xi32>
      %swap3A_432 = vector.shape_cast %add3A_427 : vector<16xi32> to vector<1x16xi32>
      tpu.vector_store %arg6[%swap3A_428, %swap3A_429], %swap3A_432 {strides = array<i32>} : memref<20x128xi32, #tpu.memory_space<vmem>>, vector<1x16xi32>,
      %mul3A_433 = arith.constant 128 : i32
      %mul3A_434 = arith.muli %scan3A_292, %mul3A_433 : i32
      %add3A_435 = arith.constant 64 : i32
      %add3A_436 = arith.addi %mul3A_434, %add3A_435 : i32
      %add3A_437 = arith.addi %mul3A_2, %add3A_436 : i32
      %iota3A_438 = tpu.iota {dimensions = array<i32: 0>} : vector<16xi32>
      %add3A_439 = vector.broadcast %add3A_437 : i32 to vector<16xi32>
      %add3A_440 = arith.addi %add3A_439, %iota3A_438 : vector<16xi32>
      %get3A_441 = arith.index_cast %add3A_436 : i32 to index
      %get3A_442 = tpu.vector_load %arg5[%get3A_441] {strides = array<i32>} : memref<2560xi32, #tpu.memory_space<vmem>>, vector<16xi32>,
      %get3A_443 = vector.shape_cast %get3A_442 : vector<16xi32> to vector<16xi32>
      %convert_element_type3A_444 = arith.sitofp %add3A_440 : vector<16xi32> to vector<16xf32>
      %add3A_445 = arith.constant 5.000000e-01 : f32
      %add3A_446 = vector.broadcast %add3A_445 : f32 to vector<16xf32>
      %add3A_447 = arith.addf %convert_element_type3A_444, %add3A_446 : vector<16xf32>
      %mul3A_448 = arith.constant 5.000000e-02 : f32
      %mul3A_449 = vector.broadcast %mul3A_448 : f32 to vector<16xf32>
      %mul3A_450 = arith.mulf %add3A_447, %mul3A_449 : vector<16xf32>
      %convert_element_type3A_451 = arith.fptosi %mul3A_450 : vector<16xf32> to vector<16xi32>
      %mul3A_452 = arith.constant 20 : i32
      %mul3A_453 = vector.broadcast %mul3A_452 : i32 to vector<16xi32>
      %mul3A_454 = arith.muli %convert_element_type3A_451, %mul3A_453 : vector<16xi32>
      %sub3A_455 = arith.subi %add3A_440, %mul3A_454 : vector<16xi32>
      %mul3A_456 = arith.constant 20000 : i32
      %mul3A_457 = vector.broadcast %mul3A_456 : i32 to vector<16xi32>
      %mul3A_458 = arith.muli %convert_element_type3A_451, %mul3A_457 : vector<16xi32>
      %mul3A_459 = arith.constant 20 : i32
      %mul3A_460 = vector.broadcast %mul3A_459 : i32 to vector<16xi32>
      %mul3A_461 = arith.muli %get3A_443, %mul3A_460 : vector<16xi32>
      %add3A_462 = arith.addi %mul3A_458, %mul3A_461 : vector<16xi32>
      %add3A_463 = arith.addi %add3A_462, %sub3A_455 : vector<16xi32>
      %swap3A_464 = arith.index_cast %scan3A_292 : i32 to index
      %swap3A_465 = arith.constant 64 : index
      %swap3A_466 = tpu.vector_load %arg6[%swap3A_464, %swap3A_465] {strides = array<i32>} : memref<20x128xi32, #tpu.memory_space<vmem>>, vector<1x16xi32>,
      %swap3A_467 = vector.shape_cast %swap3A_466 : vector<1x16xi32> to vector<16xi32>
      %swap3A_468 = vector.shape_cast %add3A_463 : vector<16xi32> to vector<1x16xi32>
      tpu.vector_store %arg6[%swap3A_464, %swap3A_465], %swap3A_468 {strides = array<i32>} : memref<20x128xi32, #tpu.memory_space<vmem>>, vector<1x16xi32>,
      %mul3A_469 = arith.constant 128 : i32
      %mul3A_470 = arith.muli %scan3A_292, %mul3A_469 : i32
      %add3A_471 = arith.constant 80 : i32
      %add3A_472 = arith.addi %mul3A_470, %add3A_471 : i32
      %add3A_473 = arith.addi %mul3A_2, %add3A_472 : i32
      %iota3A_474 = tpu.iota {dimensions = array<i32: 0>} : vector<16xi32>
      %add3A_475 = vector.broadcast %add3A_473 : i32 to vector<16xi32>
      %add3A_476 = arith.addi %add3A_475, %iota3A_474 : vector<16xi32>
      %get3A_477 = arith.index_cast %add3A_472 : i32 to index
      %get3A_478 = tpu.vector_load %arg5[%get3A_477] {strides = array<i32>} : memref<2560xi32, #tpu.memory_space<vmem>>, vector<16xi32>,
      %get3A_479 = vector.shape_cast %get3A_478 : vector<16xi32> to vector<16xi32>
      %convert_element_type3A_480 = arith.sitofp %add3A_476 : vector<16xi32> to vector<16xf32>
      %add3A_481 = arith.constant 5.000000e-01 : f32
      %add3A_482 = vector.broadcast %add3A_481 : f32 to vector<16xf32>
      %add3A_483 = arith.addf %convert_element_type3A_480, %add3A_482 : vector<16xf32>
      %mul3A_484 = arith.constant 5.000000e-02 : f32
      %mul3A_485 = vector.broadcast %mul3A_484 : f32 to vector<16xf32>
      %mul3A_486 = arith.mulf %add3A_483, %mul3A_485 : vector<16xf32>
      %convert_element_type3A_487 = arith.fptosi %mul3A_486 : vector<16xf32> to vector<16xi32>
      %mul3A_488 = arith.constant 20 : i32
      %mul3A_489 = vector.broadcast %mul3A_488 : i32 to vector<16xi32>
      %mul3A_490 = arith.muli %convert_element_type3A_487, %mul3A_489 : vector<16xi32>
      %sub3A_491 = arith.subi %add3A_476, %mul3A_490 : vector<16xi32>
      %mul3A_492 = arith.constant 20000 : i32
      %mul3A_493 = vector.broadcast %mul3A_492 : i32 to vector<16xi32>
      %mul3A_494 = arith.muli %convert_element_type3A_487, %mul3A_493 : vector<16xi32>
      %mul3A_495 = arith.constant 20 : i32
      %mul3A_496 = vector.broadcast %mul3A_495 : i32 to vector<16xi32>
      %mul3A_497 = arith.muli %get3A_479, %mul3A_496 : vector<16xi32>
      %add3A_498 = arith.addi %mul3A_494, %mul3A_497 : vector<16xi32>
      %add3A_499 = arith.addi %add3A_498, %sub3A_491 : vector<16xi32>
      %swap3A_500 = arith.index_cast %scan3A_292 : i32 to index
      %swap3A_501 = arith.constant 80 : index
      %swap3A_502 = tpu.vector_load %arg6[%swap3A_500, %swap3A_501] {strides = array<i32>} : memref<20x128xi32, #tpu.memory_space<vmem>>, vector<1x16xi32>,
      %swap3A_503 = vector.shape_cast %swap3A_502 : vector<1x16xi32> to vector<16xi32>
      %swap3A_504 = vector.shape_cast %add3A_499 : vector<16xi32> to vector<1x16xi32>
      tpu.vector_store %arg6[%swap3A_500, %swap3A_501], %swap3A_504 {strides = array<i32>} : memref<20x128xi32, #tpu.memory_space<vmem>>, vector<1x16xi32>,
      %mul3A_505 = arith.constant 128 : i32
      %mul3A_506 = arith.muli %scan3A_292, %mul3A_505 : i32
      %add3A_507 = arith.constant 96 : i32
      %add3A_508 = arith.addi %mul3A_506, %add3A_507 : i32
      %add3A_509 = arith.addi %mul3A_2, %add3A_508 : i32
      %iota3A_510 = tpu.iota {dimensions = array<i32: 0>} : vector<16xi32>
      %add3A_511 = vector.broadcast %add3A_509 : i32 to vector<16xi32>
      %add3A_512 = arith.addi %add3A_511, %iota3A_510 : vector<16xi32>
      %get3A_513 = arith.index_cast %add3A_508 : i32 to index
      %get3A_514 = tpu.vector_load %arg5[%get3A_513] {strides = array<i32>} : memref<2560xi32, #tpu.memory_space<vmem>>, vector<16xi32>,
      %get3A_515 = vector.shape_cast %get3A_514 : vector<16xi32> to vector<16xi32>
      %convert_element_type3A_516 = arith.sitofp %add3A_512 : vector<16xi32> to vector<16xf32>
      %add3A_517 = arith.constant 5.000000e-01 : f32
      %add3A_518 = vector.broadcast %add3A_517 : f32 to vector<16xf32>
      %add3A_519 = arith.addf %convert_element_type3A_516, %add3A_518 : vector<16xf32>
      %mul3A_520 = arith.constant 5.000000e-02 : f32
      %mul3A_521 = vector.broadcast %mul3A_520 : f32 to vector<16xf32>
      %mul3A_522 = arith.mulf %add3A_519, %mul3A_521 : vector<16xf32>
      %convert_element_type3A_523 = arith.fptosi %mul3A_522 : vector<16xf32> to vector<16xi32>
      %mul3A_524 = arith.constant 20 : i32
      %mul3A_525 = vector.broadcast %mul3A_524 : i32 to vector<16xi32>
      %mul3A_526 = arith.muli %convert_element_type3A_523, %mul3A_525 : vector<16xi32>
      %sub3A_527 = arith.subi %add3A_512, %mul3A_526 : vector<16xi32>
      %mul3A_528 = arith.constant 20000 : i32
      %mul3A_529 = vector.broadcast %mul3A_528 : i32 to vector<16xi32>
      %mul3A_530 = arith.muli %convert_element_type3A_523, %mul3A_529 : vector<16xi32>
      %mul3A_531 = arith.constant 20 : i32
      %mul3A_532 = vector.broadcast %mul3A_531 : i32 to vector<16xi32>
      %mul3A_533 = arith.muli %get3A_515, %mul3A_532 : vector<16xi32>
      %add3A_534 = arith.addi %mul3A_530, %mul3A_533 : vector<16xi32>
      %add3A_535 = arith.addi %add3A_534, %sub3A_527 : vector<16xi32>
      %swap3A_536 = arith.index_cast %scan3A_292 : i32 to index
      %swap3A_537 = arith.constant 96 : index
      %swap3A_538 = tpu.vector_load %arg6[%swap3A_536, %swap3A_537] {strides = array<i32>} : memref<20x128xi32, #tpu.memory_space<vmem>>, vector<1x16xi32>,
      %swap3A_539 = vector.shape_cast %swap3A_538 : vector<1x16xi32> to vector<16xi32>
      %swap3A_540 = vector.shape_cast %add3A_535 : vector<16xi32> to vector<1x16xi32>
      tpu.vector_store %arg6[%swap3A_536, %swap3A_537], %swap3A_540 {strides = array<i32>} : memref<20x128xi32, #tpu.memory_space<vmem>>, vector<1x16xi32>,
      %mul3A_541 = arith.constant 128 : i32
      %mul3A_542 = arith.muli %scan3A_292, %mul3A_541 : i32
      %add3A_543 = arith.constant 112 : i32
      %add3A_544 = arith.addi %mul3A_542, %add3A_543 : i32
      %add3A_545 = arith.addi %mul3A_2, %add3A_544 : i32
      %iota3A_546 = tpu.iota {dimensions = array<i32: 0>} : vector<16xi32>
      %add3A_547 = vector.broadcast %add3A_545 : i32 to vector<16xi32>
      %add3A_548 = arith.addi %add3A_547, %iota3A_546 : vector<16xi32>
      %get3A_549 = arith.index_cast %add3A_544 : i32 to index
      %get3A_550 = tpu.vector_load %arg5[%get3A_549] {strides = array<i32>} : memref<2560xi32, #tpu.memory_space<vmem>>, vector<16xi32>,
      %get3A_551 = vector.shape_cast %get3A_550 : vector<16xi32> to vector<16xi32>
      %convert_element_type3A_552 = arith.sitofp %add3A_548 : vector<16xi32> to vector<16xf32>
      %add3A_553 = arith.constant 5.000000e-01 : f32
      %add3A_554 = vector.broadcast %add3A_553 : f32 to vector<16xf32>
      %add3A_555 = arith.addf %convert_element_type3A_552, %add3A_554 : vector<16xf32>
      %mul3A_556 = arith.constant 5.000000e-02 : f32
      %mul3A_557 = vector.broadcast %mul3A_556 : f32 to vector<16xf32>
      %mul3A_558 = arith.mulf %add3A_555, %mul3A_557 : vector<16xf32>
      %convert_element_type3A_559 = arith.fptosi %mul3A_558 : vector<16xf32> to vector<16xi32>
      %mul3A_560 = arith.constant 20 : i32
      %mul3A_561 = vector.broadcast %mul3A_560 : i32 to vector<16xi32>
      %mul3A_562 = arith.muli %convert_element_type3A_559, %mul3A_561 : vector<16xi32>
      %sub3A_563 = arith.subi %add3A_548, %mul3A_562 : vector<16xi32>
      %mul3A_564 = arith.constant 20000 : i32
      %mul3A_565 = vector.broadcast %mul3A_564 : i32 to vector<16xi32>
      %mul3A_566 = arith.muli %convert_element_type3A_559, %mul3A_565 : vector<16xi32>
      %mul3A_567 = arith.constant 20 : i32
      %mul3A_568 = vector.broadcast %mul3A_567 : i32 to vector<16xi32>
      %mul3A_569 = arith.muli %get3A_551, %mul3A_568 : vector<16xi32>
      %add3A_570 = arith.addi %mul3A_566, %mul3A_569 : vector<16xi32>
      %add3A_571 = arith.addi %add3A_570, %sub3A_563 : vector<16xi32>
      %swap3A_572 = arith.index_cast %scan3A_292 : i32 to index
      %swap3A_573 = arith.constant 112 : index
      %swap3A_574 = tpu.vector_load %arg6[%swap3A_572, %swap3A_573] {strides = array<i32>} : memref<20x128xi32, #tpu.memory_space<vmem>>, vector<1x16xi32>,
      %swap3A_575 = vector.shape_cast %swap3A_574 : vector<1x16xi32> to vector<16xi32>
      %swap3A_576 = vector.shape_cast %add3A_571 : vector<16xi32> to vector<1x16xi32>
      tpu.vector_store %arg6[%swap3A_572, %swap3A_573], %swap3A_576 {strides = array<i32>} : memref<20x128xi32, #tpu.memory_space<vmem>>, vector<1x16xi32>,
    }
    %scan3A_53 = arith.constant 20 : i32
    %dma_start3A = arith.constant 0 : i32
    %dma_start3A_54 = arith.constant 0 : i32
    %dma_start3A_55 = tpu.memref_slice %arg6[%dma_start3A, %dma_start3A_54] : memref<20x128xi32, #tpu.memory_space<vmem>> -> memref<1x128xi32, #tpu.memory_space<vmem>>
    %dma_start3A_56 = tpu.memref_squeeze %dma_start3A_55 : memref<1x128xi32, #tpu.memory_space<vmem>> -> memref<128xi32, #tpu.memory_space<vmem>>
    %dma_start3A_57 = arith.constant 0 : i32
    %dma_start3A_58 = tpu.memref_slice %arg4[%dma_start3A_57] : memref<81920000xf32, #tpu.memory_space<hbm>> -> memref<81920000xf32, #tpu.memory_space<hbm>>
    tpu.enqueue_indirect_dma source(%arg7 : memref<128xf32, #tpu.memory_space<vmem>>) target(%dma_start3A_58 : memref<81920000xf32, #tpu.memory_space<hbm>>) offsets(%dma_start3A_56 : memref<128xi32, #tpu.memory_space<vmem>>) semaphore(%arg8 : memref<!tpu.dma_semaphore, #tpu.memory_space<semaphore_mem>>)
    %dma_start3A_59 = arith.constant 1 : i32
    %dma_start3A_60 = arith.constant 0 : i32
    %dma_start3A_61 = tpu.memref_slice %arg6[%dma_start3A_59, %dma_start3A_60] : memref<20x128xi32, #tpu.memory_space<vmem>> -> memref<1x128xi32, #tpu.memory_space<vmem>>
    %dma_start3A_62 = tpu.memref_squeeze %dma_start3A_61 : memref<1x128xi32, #tpu.memory_space<vmem>> -> memref<128xi32, #tpu.memory_space<vmem>>
    %dma_start3A_63 = arith.constant 0 : i32
    %dma_start3A_64 = tpu.memref_slice %arg4[%dma_start3A_63] : memref<81920000xf32, #tpu.memory_space<hbm>> -> memref<81920000xf32, #tpu.memory_space<hbm>>
    tpu.enqueue_indirect_dma source(%arg7 : memref<128xf32, #tpu.memory_space<vmem>>) target(%dma_start3A_64 : memref<81920000xf32, #tpu.memory_space<hbm>>) offsets(%dma_start3A_62 : memref<128xi32, #tpu.memory_space<vmem>>) semaphore(%arg8 : memref<!tpu.dma_semaphore, #tpu.memory_space<semaphore_mem>>)
    %dma_start3A_65 = arith.constant 2 : i32
    %dma_start3A_66 = arith.constant 0 : i32
    %dma_start3A_67 = tpu.memref_slice %arg6[%dma_start3A_65, %dma_start3A_66] : memref<20x128xi32, #tpu.memory_space<vmem>> -> memref<1x128xi32, #tpu.memory_space<vmem>>
    %dma_start3A_68 = tpu.memref_squeeze %dma_start3A_67 : memref<1x128xi32, #tpu.memory_space<vmem>> -> memref<128xi32, #tpu.memory_space<vmem>>
    %dma_start3A_69 = arith.constant 0 : i32
    %dma_start3A_70 = tpu.memref_slice %arg4[%dma_start3A_69] : memref<81920000xf32, #tpu.memory_space<hbm>> -> memref<81920000xf32, #tpu.memory_space<hbm>>
    tpu.enqueue_indirect_dma source(%arg7 : memref<128xf32, #tpu.memory_space<vmem>>) target(%dma_start3A_70 : memref<81920000xf32, #tpu.memory_space<hbm>>) offsets(%dma_start3A_68 : memref<128xi32, #tpu.memory_space<vmem>>) semaphore(%arg8 : memref<!tpu.dma_semaphore, #tpu.memory_space<semaphore_mem>>)
    %dma_start3A_71 = arith.constant 3 : i32
    %dma_start3A_72 = arith.constant 0 : i32
    %dma_start3A_73 = tpu.memref_slice %arg6[%dma_start3A_71, %dma_start3A_72] : memref<20x128xi32, #tpu.memory_space<vmem>> -> memref<1x128xi32, #tpu.memory_space<vmem>>
    %dma_start3A_74 = tpu.memref_squeeze %dma_start3A_73 : memref<1x128xi32, #tpu.memory_space<vmem>> -> memref<128xi32, #tpu.memory_space<vmem>>
    %dma_start3A_75 = arith.constant 0 : i32
    %dma_start3A_76 = tpu.memref_slice %arg4[%dma_start3A_75] : memref<81920000xf32, #tpu.memory_space<hbm>> -> memref<81920000xf32, #tpu.memory_space<hbm>>
    tpu.enqueue_indirect_dma source(%arg7 : memref<128xf32, #tpu.memory_space<vmem>>) target(%dma_start3A_76 : memref<81920000xf32, #tpu.memory_space<hbm>>) offsets(%dma_start3A_74 : memref<128xi32, #tpu.memory_space<vmem>>) semaphore(%arg8 : memref<!tpu.dma_semaphore, #tpu.memory_space<semaphore_mem>>)
    %dma_start3A_77 = arith.constant 4 : i32
    %dma_start3A_78 = arith.constant 0 : i32
    %dma_start3A_79 = tpu.memref_slice %arg6[%dma_start3A_77, %dma_start3A_78] : memref<20x128xi32, #tpu.memory_space<vmem>> -> memref<1x128xi32, #tpu.memory_space<vmem>>
    %dma_start3A_80 = tpu.memref_squeeze %dma_start3A_79 : memref<1x128xi32, #tpu.memory_space<vmem>> -> memref<128xi32, #tpu.memory_space<vmem>>
    %dma_start3A_81 = arith.constant 0 : i32
    %dma_start3A_82 = tpu.memref_slice %arg4[%dma_start3A_81] : memref<81920000xf32, #tpu.memory_space<hbm>> -> memref<81920000xf32, #tpu.memory_space<hbm>>
    tpu.enqueue_indirect_dma source(%arg7 : memref<128xf32, #tpu.memory_space<vmem>>) target(%dma_start3A_82 : memref<81920000xf32, #tpu.memory_space<hbm>>) offsets(%dma_start3A_80 : memref<128xi32, #tpu.memory_space<vmem>>) semaphore(%arg8 : memref<!tpu.dma_semaphore, #tpu.memory_space<semaphore_mem>>)
    %dma_start3A_83 = arith.constant 5 : i32
    %dma_start3A_84 = arith.constant 0 : i32
    %dma_start3A_85 = tpu.memref_slice %arg6[%dma_start3A_83, %dma_start3A_84] : memref<20x128xi32, #tpu.memory_space<vmem>> -> memref<1x128xi32, #tpu.memory_space<vmem>>
    %dma_start3A_86 = tpu.memref_squeeze %dma_start3A_85 : memref<1x128xi32, #tpu.memory_space<vmem>> -> memref<128xi32, #tpu.memory_space<vmem>>
    %dma_start3A_87 = arith.constant 0 : i32
    %dma_start3A_88 = tpu.memref_slice %arg4[%dma_start3A_87] : memref<81920000xf32, #tpu.memory_space<hbm>> -> memref<81920000xf32, #tpu.memory_space<hbm>>
    tpu.enqueue_indirect_dma source(%arg7 : memref<128xf32, #tpu.memory_space<vmem>>) target(%dma_start3A_88 : memref<81920000xf32, #tpu.memory_space<hbm>>) offsets(%dma_start3A_86 : memref<128xi32, #tpu.memory_space<vmem>>) semaphore(%arg8 : memref<!tpu.dma_semaphore, #tpu.memory_space<semaphore_mem>>)
    %dma_start3A_89 = arith.constant 6 : i32
    %dma_start3A_90 = arith.constant 0 : i32
    %dma_start3A_91 = tpu.memref_slice %arg6[%dma_start3A_89, %dma_start3A_90] : memref<20x128xi32, #tpu.memory_space<vmem>> -> memref<1x128xi32, #tpu.memory_space<vmem>>
    %dma_start3A_92 = tpu.memref_squeeze %dma_start3A_91 : memref<1x128xi32, #tpu.memory_space<vmem>> -> memref<128xi32, #tpu.memory_space<vmem>>
    %dma_start3A_93 = arith.constant 0 : i32
    %dma_start3A_94 = tpu.memref_slice %arg4[%dma_start3A_93] : memref<81920000xf32, #tpu.memory_space<hbm>> -> memref<81920000xf32, #tpu.memory_space<hbm>>
    tpu.enqueue_indirect_dma source(%arg7 : memref<128xf32, #tpu.memory_space<vmem>>) target(%dma_start3A_94 : memref<81920000xf32, #tpu.memory_space<hbm>>) offsets(%dma_start3A_92 : memref<128xi32, #tpu.memory_space<vmem>>) semaphore(%arg8 : memref<!tpu.dma_semaphore, #tpu.memory_space<semaphore_mem>>)
    %dma_start3A_95 = arith.constant 7 : i32
    %dma_start3A_96 = arith.constant 0 : i32
    %dma_start3A_97 = tpu.memref_slice %arg6[%dma_start3A_95, %dma_start3A_96] : memref<20x128xi32, #tpu.memory_space<vmem>> -> memref<1x128xi32, #tpu.memory_space<vmem>>
    %dma_start3A_98 = tpu.memref_squeeze %dma_start3A_97 : memref<1x128xi32, #tpu.memory_space<vmem>> -> memref<128xi32, #tpu.memory_space<vmem>>
    %dma_start3A_99 = arith.constant 0 : i32
    %dma_start3A_100 = tpu.memref_slice %arg4[%dma_start3A_99] : memref<81920000xf32, #tpu.memory_space<hbm>> -> memref<81920000xf32, #tpu.memory_space<hbm>>
    tpu.enqueue_indirect_dma source(%arg7 : memref<128xf32, #tpu.memory_space<vmem>>) target(%dma_start3A_100 : memref<81920000xf32, #tpu.memory_space<hbm>>) offsets(%dma_start3A_98 : memref<128xi32, #tpu.memory_space<vmem>>) semaphore(%arg8 : memref<!tpu.dma_semaphore, #tpu.memory_space<semaphore_mem>>)
    %dma_start3A_101 = arith.constant 8 : i32
    %dma_start3A_102 = arith.constant 0 : i32
    %dma_start3A_103 = tpu.memref_slice %arg6[%dma_start3A_101, %dma_start3A_102] : memref<20x128xi32, #tpu.memory_space<vmem>> -> memref<1x128xi32, #tpu.memory_space<vmem>>
    %dma_start3A_104 = tpu.memref_squeeze %dma_start3A_103 : memref<1x128xi32, #tpu.memory_space<vmem>> -> memref<128xi32, #tpu.memory_space<vmem>>
    %dma_start3A_105 = arith.constant 0 : i32
    %dma_start3A_106 = tpu.memref_slice %arg4[%dma_start3A_105] : memref<81920000xf32, #tpu.memory_space<hbm>> -> memref<81920000xf32, #tpu.memory_space<hbm>>
    tpu.enqueue_indirect_dma source(%arg7 : memref<128xf32, #tpu.memory_space<vmem>>) target(%dma_start3A_106 : memref<81920000xf32, #tpu.memory_space<hbm>>) offsets(%dma_start3A_104 : memref<128xi32, #tpu.memory_space<vmem>>) semaphore(%arg8 : memref<!tpu.dma_semaphore, #tpu.memory_space<semaphore_mem>>)
    %dma_start3A_107 = arith.constant 9 : i32
    %dma_start3A_108 = arith.constant 0 : i32
    %dma_start3A_109 = tpu.memref_slice %arg6[%dma_start3A_107, %dma_start3A_108] : memref<20x128xi32, #tpu.memory_space<vmem>> -> memref<1x128xi32, #tpu.memory_space<vmem>>
    %dma_start3A_110 = tpu.memref_squeeze %dma_start3A_109 : memref<1x128xi32, #tpu.memory_space<vmem>> -> memref<128xi32, #tpu.memory_space<vmem>>
    %dma_start3A_111 = arith.constant 0 : i32
    %dma_start3A_112 = tpu.memref_slice %arg4[%dma_start3A_111] : memref<81920000xf32, #tpu.memory_space<hbm>> -> memref<81920000xf32, #tpu.memory_space<hbm>>
    tpu.enqueue_indirect_dma source(%arg7 : memref<128xf32, #tpu.memory_space<vmem>>) target(%dma_start3A_112 : memref<81920000xf32, #tpu.memory_space<hbm>>) offsets(%dma_start3A_110 : memref<128xi32, #tpu.memory_space<vmem>>) semaphore(%arg8 : memref<!tpu.dma_semaphore, #tpu.memory_space<semaphore_mem>>)
    %dma_start3A_113 = arith.constant 10 : i32
    %dma_start3A_114 = arith.constant 0 : i32
    %dma_start3A_115 = tpu.memref_slice %arg6[%dma_start3A_113, %dma_start3A_114] : memref<20x128xi32, #tpu.memory_space<vmem>> -> memref<1x128xi32, #tpu.memory_space<vmem>>
    %dma_start3A_116 = tpu.memref_squeeze %dma_start3A_115 : memref<1x128xi32, #tpu.memory_space<vmem>> -> memref<128xi32, #tpu.memory_space<vmem>>
    %dma_start3A_117 = arith.constant 0 : i32
    %dma_start3A_118 = tpu.memref_slice %arg4[%dma_start3A_117] : memref<81920000xf32, #tpu.memory_space<hbm>> -> memref<81920000xf32, #tpu.memory_space<hbm>>
    tpu.enqueue_indirect_dma source(%arg7 : memref<128xf32, #tpu.memory_space<vmem>>) target(%dma_start3A_118 : memref<81920000xf32, #tpu.memory_space<hbm>>) offsets(%dma_start3A_116 : memref<128xi32, #tpu.memory_space<vmem>>) semaphore(%arg8 : memref<!tpu.dma_semaphore, #tpu.memory_space<semaphore_mem>>)
    %dma_start3A_119 = arith.constant 11 : i32
    %dma_start3A_120 = arith.constant 0 : i32
    %dma_start3A_121 = tpu.memref_slice %arg6[%dma_start3A_119, %dma_start3A_120] : memref<20x128xi32, #tpu.memory_space<vmem>> -> memref<1x128xi32, #tpu.memory_space<vmem>>
    %dma_start3A_122 = tpu.memref_squeeze %dma_start3A_121 : memref<1x128xi32, #tpu.memory_space<vmem>> -> memref<128xi32, #tpu.memory_space<vmem>>
    %dma_start3A_123 = arith.constant 0 : i32
    %dma_start3A_124 = tpu.memref_slice %arg4[%dma_start3A_123] : memref<81920000xf32, #tpu.memory_space<hbm>> -> memref<81920000xf32, #tpu.memory_space<hbm>>
    tpu.enqueue_indirect_dma source(%arg7 : memref<128xf32, #tpu.memory_space<vmem>>) target(%dma_start3A_124 : memref<81920000xf32, #tpu.memory_space<hbm>>) offsets(%dma_start3A_122 : memref<128xi32, #tpu.memory_space<vmem>>) semaphore(%arg8 : memref<!tpu.dma_semaphore, #tpu.memory_space<semaphore_mem>>)
    %dma_start3A_125 = arith.constant 12 : i32
    %dma_start3A_126 = arith.constant 0 : i32
    %dma_start3A_127 = tpu.memref_slice %arg6[%dma_start3A_125, %dma_start3A_126] : memref<20x128xi32, #tpu.memory_space<vmem>> -> memref<1x128xi32, #tpu.memory_space<vmem>>
    %dma_start3A_128 = tpu.memref_squeeze %dma_start3A_127 : memref<1x128xi32, #tpu.memory_space<vmem>> -> memref<128xi32, #tpu.memory_space<vmem>>
    %dma_start3A_129 = arith.constant 0 : i32
    %dma_start3A_130 = tpu.memref_slice %arg4[%dma_start3A_129] : memref<81920000xf32, #tpu.memory_space<hbm>> -> memref<81920000xf32, #tpu.memory_space<hbm>>
    tpu.enqueue_indirect_dma source(%arg7 : memref<128xf32, #tpu.memory_space<vmem>>) target(%dma_start3A_130 : memref<81920000xf32, #tpu.memory_space<hbm>>) offsets(%dma_start3A_128 : memref<128xi32, #tpu.memory_space<vmem>>) semaphore(%arg8 : memref<!tpu.dma_semaphore, #tpu.memory_space<semaphore_mem>>)
    %dma_start3A_131 = arith.constant 13 : i32
    %dma_start3A_132 = arith.constant 0 : i32
    %dma_start3A_133 = tpu.memref_slice %arg6[%dma_start3A_131, %dma_start3A_132] : memref<20x128xi32, #tpu.memory_space<vmem>> -> memref<1x128xi32, #tpu.memory_space<vmem>>
    %dma_start3A_134 = tpu.memref_squeeze %dma_start3A_133 : memref<1x128xi32, #tpu.memory_space<vmem>> -> memref<128xi32, #tpu.memory_space<vmem>>
    %dma_start3A_135 = arith.constant 0 : i32
    %dma_start3A_136 = tpu.memref_slice %arg4[%dma_start3A_135] : memref<81920000xf32, #tpu.memory_space<hbm>> -> memref<81920000xf32, #tpu.memory_space<hbm>>
    tpu.enqueue_indirect_dma source(%arg7 : memref<128xf32, #tpu.memory_space<vmem>>) target(%dma_start3A_136 : memref<81920000xf32, #tpu.memory_space<hbm>>) offsets(%dma_start3A_134 : memref<128xi32, #tpu.memory_space<vmem>>) semaphore(%arg8 : memref<!tpu.dma_semaphore, #tpu.memory_space<semaphore_mem>>)
    %dma_start3A_137 = arith.constant 14 : i32
    %dma_start3A_138 = arith.constant 0 : i32
    %dma_start3A_139 = tpu.memref_slice %arg6[%dma_start3A_137, %dma_start3A_138] : memref<20x128xi32, #tpu.memory_space<vmem>> -> memref<1x128xi32, #tpu.memory_space<vmem>>
    %dma_start3A_140 = tpu.memref_squeeze %dma_start3A_139 : memref<1x128xi32, #tpu.memory_space<vmem>> -> memref<128xi32, #tpu.memory_space<vmem>>
    %dma_start3A_141 = arith.constant 0 : i32
    %dma_start3A_142 = tpu.memref_slice %arg4[%dma_start3A_141] : memref<81920000xf32, #tpu.memory_space<hbm>> -> memref<81920000xf32, #tpu.memory_space<hbm>>
    tpu.enqueue_indirect_dma source(%arg7 : memref<128xf32, #tpu.memory_space<vmem>>) target(%dma_start3A_142 : memref<81920000xf32, #tpu.memory_space<hbm>>) offsets(%dma_start3A_140 : memref<128xi32, #tpu.memory_space<vmem>>) semaphore(%arg8 : memref<!tpu.dma_semaphore, #tpu.memory_space<semaphore_mem>>)
    %dma_start3A_143 = arith.constant 15 : i32
    %dma_start3A_144 = arith.constant 0 : i32
    %dma_start3A_145 = tpu.memref_slice %arg6[%dma_start3A_143, %dma_start3A_144] : memref<20x128xi32, #tpu.memory_space<vmem>> -> memref<1x128xi32, #tpu.memory_space<vmem>>
    %dma_start3A_146 = tpu.memref_squeeze %dma_start3A_145 : memref<1x128xi32, #tpu.memory_space<vmem>> -> memref<128xi32, #tpu.memory_space<vmem>>
    %dma_start3A_147 = arith.constant 0 : i32
    %dma_start3A_148 = tpu.memref_slice %arg4[%dma_start3A_147] : memref<81920000xf32, #tpu.memory_space<hbm>> -> memref<81920000xf32, #tpu.memory_space<hbm>>
    tpu.enqueue_indirect_dma source(%arg7 : memref<128xf32, #tpu.memory_space<vmem>>) target(%dma_start3A_148 : memref<81920000xf32, #tpu.memory_space<hbm>>) offsets(%dma_start3A_146 : memref<128xi32, #tpu.memory_space<vmem>>) semaphore(%arg8 : memref<!tpu.dma_semaphore, #tpu.memory_space<semaphore_mem>>)
    %dma_start3A_149 = arith.constant 16 : i32
    %dma_start3A_150 = arith.constant 0 : i32
    %dma_start3A_151 = tpu.memref_slice %arg6[%dma_start3A_149, %dma_start3A_150] : memref<20x128xi32, #tpu.memory_space<vmem>> -> memref<1x128xi32, #tpu.memory_space<vmem>>
    %dma_start3A_152 = tpu.memref_squeeze %dma_start3A_151 : memref<1x128xi32, #tpu.memory_space<vmem>> -> memref<128xi32, #tpu.memory_space<vmem>>
    %dma_start3A_153 = arith.constant 0 : i32
    %dma_start3A_154 = tpu.memref_slice %arg4[%dma_start3A_153] : memref<81920000xf32, #tpu.memory_space<hbm>> -> memref<81920000xf32, #tpu.memory_space<hbm>>
    tpu.enqueue_indirect_dma source(%arg7 : memref<128xf32, #tpu.memory_space<vmem>>) target(%dma_start3A_154 : memref<81920000xf32, #tpu.memory_space<hbm>>) offsets(%dma_start3A_152 : memref<128xi32, #tpu.memory_space<vmem>>) semaphore(%arg8 : memref<!tpu.dma_semaphore, #tpu.memory_space<semaphore_mem>>)
    %dma_start3A_155 = arith.constant 17 : i32
    %dma_start3A_156 = arith.constant 0 : i32
    %dma_start3A_157 = tpu.memref_slice %arg6[%dma_start3A_155, %dma_start3A_156] : memref<20x128xi32, #tpu.memory_space<vmem>> -> memref<1x128xi32, #tpu.memory_space<vmem>>
    %dma_start3A_158 = tpu.memref_squeeze %dma_start3A_157 : memref<1x128xi32, #tpu.memory_space<vmem>> -> memref<128xi32, #tpu.memory_space<vmem>>
    %dma_start3A_159 = arith.constant 0 : i32
    %dma_start3A_160 = tpu.memref_slice %arg4[%dma_start3A_159] : memref<81920000xf32, #tpu.memory_space<hbm>> -> memref<81920000xf32, #tpu.memory_space<hbm>>
    tpu.enqueue_indirect_dma source(%arg7 : memref<128xf32, #tpu.memory_space<vmem>>) target(%dma_start3A_160 : memref<81920000xf32, #tpu.memory_space<hbm>>) offsets(%dma_start3A_158 : memref<128xi32, #tpu.memory_space<vmem>>) semaphore(%arg8 : memref<!tpu.dma_semaphore, #tpu.memory_space<semaphore_mem>>)
    %dma_start3A_161 = arith.constant 18 : i32
    %dma_start3A_162 = arith.constant 0 : i32
    %dma_start3A_163 = tpu.memref_slice %arg6[%dma_start3A_161, %dma_start3A_162] : memref<20x128xi32, #tpu.memory_space<vmem>> -> memref<1x128xi32, #tpu.memory_space<vmem>>
    %dma_start3A_164 = tpu.memref_squeeze %dma_start3A_163 : memref<1x128xi32, #tpu.memory_space<vmem>> -> memref<128xi32, #tpu.memory_space<vmem>>
    %dma_start3A_165 = arith.constant 0 : i32
    %dma_start3A_166 = tpu.memref_slice %arg4[%dma_start3A_165] : memref<81920000xf32, #tpu.memory_space<hbm>> -> memref<81920000xf32, #tpu.memory_space<hbm>>
    tpu.enqueue_indirect_dma source(%arg7 : memref<128xf32, #tpu.memory_space<vmem>>) target(%dma_start3A_166 : memref<81920000xf32, #tpu.memory_space<hbm>>) offsets(%dma_start3A_164 : memref<128xi32, #tpu.memory_space<vmem>>) semaphore(%arg8 : memref<!tpu.dma_semaphore, #tpu.memory_space<semaphore_mem>>)
    %dma_start3A_167 = arith.constant 19 : i32
    %dma_start3A_168 = arith.constant 0 : i32
    %dma_start3A_169 = tpu.memref_slice %arg6[%dma_start3A_167, %dma_start3A_168] : memref<20x128xi32, #tpu.memory_space<vmem>> -> memref<1x128xi32, #tpu.memory_space<vmem>>
    %dma_start3A_170 = tpu.memref_squeeze %dma_start3A_169 : memref<1x128xi32, #tpu.memory_space<vmem>> -> memref<128xi32, #tpu.memory_space<vmem>>
    %dma_start3A_171 = arith.constant 0 : i32
    %dma_start3A_172 = tpu.memref_slice %arg4[%dma_start3A_171] : memref<81920000xf32, #tpu.memory_space<hbm>> -> memref<81920000xf32, #tpu.memory_space<hbm>>
    tpu.enqueue_indirect_dma source(%arg7 : memref<128xf32, #tpu.memory_space<vmem>>) target(%dma_start3A_172 : memref<81920000xf32, #tpu.memory_space<hbm>>) offsets(%dma_start3A_170 : memref<128xi32, #tpu.memory_space<vmem>>) semaphore(%arg8 : memref<!tpu.dma_semaphore, #tpu.memory_space<semaphore_mem>>)
    %dma_wait3A = arith.constant 0 : i32
    %dma_wait3A_173 = arith.constant 0 : i32
    %dma_wait3A_174 = tpu.memref_slice %arg6[%dma_wait3A, %dma_wait3A_173] : memref<20x128xi32, #tpu.memory_space<vmem>> -> memref<1x128xi32, #tpu.memory_space<vmem>>
    %dma_wait3A_175 = tpu.memref_squeeze %dma_wait3A_174 : memref<1x128xi32, #tpu.memory_space<vmem>> -> memref<128xi32, #tpu.memory_space<vmem>>
    %dma_wait3A_176 = arith.constant 0 : i32
    %dma_wait3A_177 = tpu.memref_slice %arg4[%dma_wait3A_176] : memref<81920000xf32, #tpu.memory_space<hbm>> -> memref<81920000xf32, #tpu.memory_space<hbm>>
    tpu.wait_indirect_dma semaphore(%arg8 : memref<!tpu.dma_semaphore, #tpu.memory_space<semaphore_mem>>) src(%arg7 : memref<128xf32, #tpu.memory_space<vmem>>) dst(%dma_wait3A_177 : memref<81920000xf32, #tpu.memory_space<hbm>>)
    %dma_wait3A_178 = arith.constant 1 : i32
    %dma_wait3A_179 = arith.constant 0 : i32
    %dma_wait3A_180 = tpu.memref_slice %arg6[%dma_wait3A_178, %dma_wait3A_179] : memref<20x128xi32, #tpu.memory_space<vmem>> -> memref<1x128xi32, #tpu.memory_space<vmem>>
    %dma_wait3A_181 = tpu.memref_squeeze %dma_wait3A_180 : memref<1x128xi32, #tpu.memory_space<vmem>> -> memref<128xi32, #tpu.memory_space<vmem>>
    %dma_wait3A_182 = arith.constant 0 : i32
    %dma_wait3A_183 = tpu.memref_slice %arg4[%dma_wait3A_182] : memref<81920000xf32, #tpu.memory_space<hbm>> -> memref<81920000xf32, #tpu.memory_space<hbm>>
    tpu.wait_indirect_dma semaphore(%arg8 : memref<!tpu.dma_semaphore, #tpu.memory_space<semaphore_mem>>) src(%arg7 : memref<128xf32, #tpu.memory_space<vmem>>) dst(%dma_wait3A_183 : memref<81920000xf32, #tpu.memory_space<hbm>>)
    %dma_wait3A_184 = arith.constant 2 : i32
    %dma_wait3A_185 = arith.constant 0 : i32
    %dma_wait3A_186 = tpu.memref_slice %arg6[%dma_wait3A_184, %dma_wait3A_185] : memref<20x128xi32, #tpu.memory_space<vmem>> -> memref<1x128xi32, #tpu.memory_space<vmem>>
    %dma_wait3A_187 = tpu.memref_squeeze %dma_wait3A_186 : memref<1x128xi32, #tpu.memory_space<vmem>> -> memref<128xi32, #tpu.memory_space<vmem>>
    %dma_wait3A_188 = arith.constant 0 : i32
    %dma_wait3A_189 = tpu.memref_slice %arg4[%dma_wait3A_188] : memref<81920000xf32, #tpu.memory_space<hbm>> -> memref<81920000xf32, #tpu.memory_space<hbm>>
    tpu.wait_indirect_dma semaphore(%arg8 : memref<!tpu.dma_semaphore, #tpu.memory_space<semaphore_mem>>) src(%arg7 : memref<128xf32, #tpu.memory_space<vmem>>) dst(%dma_wait3A_189 : memref<81920000xf32, #tpu.memory_space<hbm>>)
    %dma_wait3A_190 = arith.constant 3 : i32
    %dma_wait3A_191 = arith.constant 0 : i32
    %dma_wait3A_192 = tpu.memref_slice %arg6[%dma_wait3A_190, %dma_wait3A_191] : memref<20x128xi32, #tpu.memory_space<vmem>> -> memref<1x128xi32, #tpu.memory_space<vmem>>
    %dma_wait3A_193 = tpu.memref_squeeze %dma_wait3A_192 : memref<1x128xi32, #tpu.memory_space<vmem>> -> memref<128xi32, #tpu.memory_space<vmem>>
    %dma_wait3A_194 = arith.constant 0 : i32
    %dma_wait3A_195 = tpu.memref_slice %arg4[%dma_wait3A_194] : memref<81920000xf32, #tpu.memory_space<hbm>> -> memref<81920000xf32, #tpu.memory_space<hbm>>
    tpu.wait_indirect_dma semaphore(%arg8 : memref<!tpu.dma_semaphore, #tpu.memory_space<semaphore_mem>>) src(%arg7 : memref<128xf32, #tpu.memory_space<vmem>>) dst(%dma_wait3A_195 : memref<81920000xf32, #tpu.memory_space<hbm>>)
    %dma_wait3A_196 = arith.constant 4 : i32
    %dma_wait3A_197 = arith.constant 0 : i32
    %dma_wait3A_198 = tpu.memref_slice %arg6[%dma_wait3A_196, %dma_wait3A_197] : memref<20x128xi32, #tpu.memory_space<vmem>> -> memref<1x128xi32, #tpu.memory_space<vmem>>
    %dma_wait3A_199 = tpu.memref_squeeze %dma_wait3A_198 : memref<1x128xi32, #tpu.memory_space<vmem>> -> memref<128xi32, #tpu.memory_space<vmem>>
    %dma_wait3A_200 = arith.constant 0 : i32
    %dma_wait3A_201 = tpu.memref_slice %arg4[%dma_wait3A_200] : memref<81920000xf32, #tpu.memory_space<hbm>> -> memref<81920000xf32, #tpu.memory_space<hbm>>
    tpu.wait_indirect_dma semaphore(%arg8 : memref<!tpu.dma_semaphore, #tpu.memory_space<semaphore_mem>>) src(%arg7 : memref<128xf32, #tpu.memory_space<vmem>>) dst(%dma_wait3A_201 : memref<81920000xf32, #tpu.memory_space<hbm>>)
    %dma_wait3A_202 = arith.constant 5 : i32
    %dma_wait3A_203 = arith.constant 0 : i32
    %dma_wait3A_204 = tpu.memref_slice %arg6[%dma_wait3A_202, %dma_wait3A_203] : memref<20x128xi32, #tpu.memory_space<vmem>> -> memref<1x128xi32, #tpu.memory_space<vmem>>
    %dma_wait3A_205 = tpu.memref_squeeze %dma_wait3A_204 : memref<1x128xi32, #tpu.memory_space<vmem>> -> memref<128xi32, #tpu.memory_space<vmem>>
    %dma_wait3A_206 = arith.constant 0 : i32
    %dma_wait3A_207 = tpu.memref_slice %arg4[%dma_wait3A_206] : memref<81920000xf32, #tpu.memory_space<hbm>> -> memref<81920000xf32, #tpu.memory_space<hbm>>
    tpu.wait_indirect_dma semaphore(%arg8 : memref<!tpu.dma_semaphore, #tpu.memory_space<semaphore_mem>>) src(%arg7 : memref<128xf32, #tpu.memory_space<vmem>>) dst(%dma_wait3A_207 : memref<81920000xf32, #tpu.memory_space<hbm>>)
    %dma_wait3A_208 = arith.constant 6 : i32
    %dma_wait3A_209 = arith.constant 0 : i32
    %dma_wait3A_210 = tpu.memref_slice %arg6[%dma_wait3A_208, %dma_wait3A_209] : memref<20x128xi32, #tpu.memory_space<vmem>> -> memref<1x128xi32, #tpu.memory_space<vmem>>
    %dma_wait3A_211 = tpu.memref_squeeze %dma_wait3A_210 : memref<1x128xi32, #tpu.memory_space<vmem>> -> memref<128xi32, #tpu.memory_space<vmem>>
    %dma_wait3A_212 = arith.constant 0 : i32
    %dma_wait3A_213 = tpu.memref_slice %arg4[%dma_wait3A_212] : memref<81920000xf32, #tpu.memory_space<hbm>> -> memref<81920000xf32, #tpu.memory_space<hbm>>
    tpu.wait_indirect_dma semaphore(%arg8 : memref<!tpu.dma_semaphore, #tpu.memory_space<semaphore_mem>>) src(%arg7 : memref<128xf32, #tpu.memory_space<vmem>>) dst(%dma_wait3A_213 : memref<81920000xf32, #tpu.memory_space<hbm>>)
    %dma_wait3A_214 = arith.constant 7 : i32
    %dma_wait3A_215 = arith.constant 0 : i32
    %dma_wait3A_216 = tpu.memref_slice %arg6[%dma_wait3A_214, %dma_wait3A_215] : memref<20x128xi32, #tpu.memory_space<vmem>> -> memref<1x128xi32, #tpu.memory_space<vmem>>
    %dma_wait3A_217 = tpu.memref_squeeze %dma_wait3A_216 : memref<1x128xi32, #tpu.memory_space<vmem>> -> memref<128xi32, #tpu.memory_space<vmem>>
    %dma_wait3A_218 = arith.constant 0 : i32
    %dma_wait3A_219 = tpu.memref_slice %arg4[%dma_wait3A_218] : memref<81920000xf32, #tpu.memory_space<hbm>> -> memref<81920000xf32, #tpu.memory_space<hbm>>
    tpu.wait_indirect_dma semaphore(%arg8 : memref<!tpu.dma_semaphore, #tpu.memory_space<semaphore_mem>>) src(%arg7 : memref<128xf32, #tpu.memory_space<vmem>>) dst(%dma_wait3A_219 : memref<81920000xf32, #tpu.memory_space<hbm>>)
    %dma_wait3A_220 = arith.constant 8 : i32
    %dma_wait3A_221 = arith.constant 0 : i32
    %dma_wait3A_222 = tpu.memref_slice %arg6[%dma_wait3A_220, %dma_wait3A_221] : memref<20x128xi32, #tpu.memory_space<vmem>> -> memref<1x128xi32, #tpu.memory_space<vmem>>
    %dma_wait3A_223 = tpu.memref_squeeze %dma_wait3A_222 : memref<1x128xi32, #tpu.memory_space<vmem>> -> memref<128xi32, #tpu.memory_space<vmem>>
    %dma_wait3A_224 = arith.constant 0 : i32
    %dma_wait3A_225 = tpu.memref_slice %arg4[%dma_wait3A_224] : memref<81920000xf32, #tpu.memory_space<hbm>> -> memref<81920000xf32, #tpu.memory_space<hbm>>
    tpu.wait_indirect_dma semaphore(%arg8 : memref<!tpu.dma_semaphore, #tpu.memory_space<semaphore_mem>>) src(%arg7 : memref<128xf32, #tpu.memory_space<vmem>>) dst(%dma_wait3A_225 : memref<81920000xf32, #tpu.memory_space<hbm>>)
    %dma_wait3A_226 = arith.constant 9 : i32
    %dma_wait3A_227 = arith.constant 0 : i32
    %dma_wait3A_228 = tpu.memref_slice %arg6[%dma_wait3A_226, %dma_wait3A_227] : memref<20x128xi32, #tpu.memory_space<vmem>> -> memref<1x128xi32, #tpu.memory_space<vmem>>
    %dma_wait3A_229 = tpu.memref_squeeze %dma_wait3A_228 : memref<1x128xi32, #tpu.memory_space<vmem>> -> memref<128xi32, #tpu.memory_space<vmem>>
    %dma_wait3A_230 = arith.constant 0 : i32
    %dma_wait3A_231 = tpu.memref_slice %arg4[%dma_wait3A_230] : memref<81920000xf32, #tpu.memory_space<hbm>> -> memref<81920000xf32, #tpu.memory_space<hbm>>
    tpu.wait_indirect_dma semaphore(%arg8 : memref<!tpu.dma_semaphore, #tpu.memory_space<semaphore_mem>>) src(%arg7 : memref<128xf32, #tpu.memory_space<vmem>>) dst(%dma_wait3A_231 : memref<81920000xf32, #tpu.memory_space<hbm>>)
    %dma_wait3A_232 = arith.constant 10 : i32
    %dma_wait3A_233 = arith.constant 0 : i32
    %dma_wait3A_234 = tpu.memref_slice %arg6[%dma_wait3A_232, %dma_wait3A_233] : memref<20x128xi32, #tpu.memory_space<vmem>> -> memref<1x128xi32, #tpu.memory_space<vmem>>
    %dma_wait3A_235 = tpu.memref_squeeze %dma_wait3A_234 : memref<1x128xi32, #tpu.memory_space<vmem>> -> memref<128xi32, #tpu.memory_space<vmem>>
    %dma_wait3A_236 = arith.constant 0 : i32
    %dma_wait3A_237 = tpu.memref_slice %arg4[%dma_wait3A_236] : memref<81920000xf32, #tpu.memory_space<hbm>> -> memref<81920000xf32, #tpu.memory_space<hbm>>
    tpu.wait_indirect_dma semaphore(%arg8 : memref<!tpu.dma_semaphore, #tpu.memory_space<semaphore_mem>>) src(%arg7 : memref<128xf32, #tpu.memory_space<vmem>>) dst(%dma_wait3A_237 : memref<81920000xf32, #tpu.memory_space<hbm>>)
    %dma_wait3A_238 = arith.constant 11 : i32
    %dma_wait3A_239 = arith.constant 0 : i32
    %dma_wait3A_240 = tpu.memref_slice %arg6[%dma_wait3A_238, %dma_wait3A_239] : memref<20x128xi32, #tpu.memory_space<vmem>> -> memref<1x128xi32, #tpu.memory_space<vmem>>
    %dma_wait3A_241 = tpu.memref_squeeze %dma_wait3A_240 : memref<1x128xi32, #tpu.memory_space<vmem>> -> memref<128xi32, #tpu.memory_space<vmem>>
    %dma_wait3A_242 = arith.constant 0 : i32
    %dma_wait3A_243 = tpu.memref_slice %arg4[%dma_wait3A_242] : memref<81920000xf32, #tpu.memory_space<hbm>> -> memref<81920000xf32, #tpu.memory_space<hbm>>
    tpu.wait_indirect_dma semaphore(%arg8 : memref<!tpu.dma_semaphore, #tpu.memory_space<semaphore_mem>>) src(%arg7 : memref<128xf32, #tpu.memory_space<vmem>>) dst(%dma_wait3A_243 : memref<81920000xf32, #tpu.memory_space<hbm>>)
    %dma_wait3A_244 = arith.constant 12 : i32
    %dma_wait3A_245 = arith.constant 0 : i32
    %dma_wait3A_246 = tpu.memref_slice %arg6[%dma_wait3A_244, %dma_wait3A_245] : memref<20x128xi32, #tpu.memory_space<vmem>> -> memref<1x128xi32, #tpu.memory_space<vmem>>
    %dma_wait3A_247 = tpu.memref_squeeze %dma_wait3A_246 : memref<1x128xi32, #tpu.memory_space<vmem>> -> memref<128xi32, #tpu.memory_space<vmem>>
    %dma_wait3A_248 = arith.constant 0 : i32
    %dma_wait3A_249 = tpu.memref_slice %arg4[%dma_wait3A_248] : memref<81920000xf32, #tpu.memory_space<hbm>> -> memref<81920000xf32, #tpu.memory_space<hbm>>
    tpu.wait_indirect_dma semaphore(%arg8 : memref<!tpu.dma_semaphore, #tpu.memory_space<semaphore_mem>>) src(%arg7 : memref<128xf32, #tpu.memory_space<vmem>>) dst(%dma_wait3A_249 : memref<81920000xf32, #tpu.memory_space<hbm>>)
    %dma_wait3A_250 = arith.constant 13 : i32
    %dma_wait3A_251 = arith.constant 0 : i32
    %dma_wait3A_252 = tpu.memref_slice %arg6[%dma_wait3A_250, %dma_wait3A_251] : memref<20x128xi32, #tpu.memory_space<vmem>> -> memref<1x128xi32, #tpu.memory_space<vmem>>
    %dma_wait3A_253 = tpu.memref_squeeze %dma_wait3A_252 : memref<1x128xi32, #tpu.memory_space<vmem>> -> memref<128xi32, #tpu.memory_space<vmem>>
    %dma_wait3A_254 = arith.constant 0 : i32
    %dma_wait3A_255 = tpu.memref_slice %arg4[%dma_wait3A_254] : memref<81920000xf32, #tpu.memory_space<hbm>> -> memref<81920000xf32, #tpu.memory_space<hbm>>
    tpu.wait_indirect_dma semaphore(%arg8 : memref<!tpu.dma_semaphore, #tpu.memory_space<semaphore_mem>>) src(%arg7 : memref<128xf32, #tpu.memory_space<vmem>>) dst(%dma_wait3A_255 : memref<81920000xf32, #tpu.memory_space<hbm>>)
    %dma_wait3A_256 = arith.constant 14 : i32
    %dma_wait3A_257 = arith.constant 0 : i32
    %dma_wait3A_258 = tpu.memref_slice %arg6[%dma_wait3A_256, %dma_wait3A_257] : memref<20x128xi32, #tpu.memory_space<vmem>> -> memref<1x128xi32, #tpu.memory_space<vmem>>
    %dma_wait3A_259 = tpu.memref_squeeze %dma_wait3A_258 : memref<1x128xi32, #tpu.memory_space<vmem>> -> memref<128xi32, #tpu.memory_space<vmem>>
    %dma_wait3A_260 = arith.constant 0 : i32
    %dma_wait3A_261 = tpu.memref_slice %arg4[%dma_wait3A_260] : memref<81920000xf32, #tpu.memory_space<hbm>> -> memref<81920000xf32, #tpu.memory_space<hbm>>
    tpu.wait_indirect_dma semaphore(%arg8 : memref<!tpu.dma_semaphore, #tpu.memory_space<semaphore_mem>>) src(%arg7 : memref<128xf32, #tpu.memory_space<vmem>>) dst(%dma_wait3A_261 : memref<81920000xf32, #tpu.memory_space<hbm>>)
    %dma_wait3A_262 = arith.constant 15 : i32
    %dma_wait3A_263 = arith.constant 0 : i32
    %dma_wait3A_264 = tpu.memref_slice %arg6[%dma_wait3A_262, %dma_wait3A_263] : memref<20x128xi32, #tpu.memory_space<vmem>> -> memref<1x128xi32, #tpu.memory_space<vmem>>
    %dma_wait3A_265 = tpu.memref_squeeze %dma_wait3A_264 : memref<1x128xi32, #tpu.memory_space<vmem>> -> memref<128xi32, #tpu.memory_space<vmem>>
    %dma_wait3A_266 = arith.constant 0 : i32
    %dma_wait3A_267 = tpu.memref_slice %arg4[%dma_wait3A_266] : memref<81920000xf32, #tpu.memory_space<hbm>> -> memref<81920000xf32, #tpu.memory_space<hbm>>
    tpu.wait_indirect_dma semaphore(%arg8 : memref<!tpu.dma_semaphore, #tpu.memory_space<semaphore_mem>>) src(%arg7 : memref<128xf32, #tpu.memory_space<vmem>>) dst(%dma_wait3A_267 : memref<81920000xf32, #tpu.memory_space<hbm>>)
    %dma_wait3A_268 = arith.constant 16 : i32
    %dma_wait3A_269 = arith.constant 0 : i32
    %dma_wait3A_270 = tpu.memref_slice %arg6[%dma_wait3A_268, %dma_wait3A_269] : memref<20x128xi32, #tpu.memory_space<vmem>> -> memref<1x128xi32, #tpu.memory_space<vmem>>
    %dma_wait3A_271 = tpu.memref_squeeze %dma_wait3A_270 : memref<1x128xi32, #tpu.memory_space<vmem>> -> memref<128xi32, #tpu.memory_space<vmem>>
    %dma_wait3A_272 = arith.constant 0 : i32
    %dma_wait3A_273 = tpu.memref_slice %arg4[%dma_wait3A_272] : memref<81920000xf32, #tpu.memory_space<hbm>> -> memref<81920000xf32, #tpu.memory_space<hbm>>
    tpu.wait_indirect_dma semaphore(%arg8 : memref<!tpu.dma_semaphore, #tpu.memory_space<semaphore_mem>>) src(%arg7 : memref<128xf32, #tpu.memory_space<vmem>>) dst(%dma_wait3A_273 : memref<81920000xf32, #tpu.memory_space<hbm>>)
    %dma_wait3A_274 = arith.constant 17 : i32
    %dma_wait3A_275 = arith.constant 0 : i32
    %dma_wait3A_276 = tpu.memref_slice %arg6[%dma_wait3A_274, %dma_wait3A_275] : memref<20x128xi32, #tpu.memory_space<vmem>> -> memref<1x128xi32, #tpu.memory_space<vmem>>
    %dma_wait3A_277 = tpu.memref_squeeze %dma_wait3A_276 : memref<1x128xi32, #tpu.memory_space<vmem>> -> memref<128xi32, #tpu.memory_space<vmem>>
    %dma_wait3A_278 = arith.constant 0 : i32
    %dma_wait3A_279 = tpu.memref_slice %arg4[%dma_wait3A_278] : memref<81920000xf32, #tpu.memory_space<hbm>> -> memref<81920000xf32, #tpu.memory_space<hbm>>
    tpu.wait_indirect_dma semaphore(%arg8 : memref<!tpu.dma_semaphore, #tpu.memory_space<semaphore_mem>>) src(%arg7 : memref<128xf32, #tpu.memory_space<vmem>>) dst(%dma_wait3A_279 : memref<81920000xf32, #tpu.memory_space<hbm>>)
    %dma_wait3A_280 = arith.constant 18 : i32
    %dma_wait3A_281 = arith.constant 0 : i32
    %dma_wait3A_282 = tpu.memref_slice %arg6[%dma_wait3A_280, %dma_wait3A_281] : memref<20x128xi32, #tpu.memory_space<vmem>> -> memref<1x128xi32, #tpu.memory_space<vmem>>
    %dma_wait3A_283 = tpu.memref_squeeze %dma_wait3A_282 : memref<1x128xi32, #tpu.memory_space<vmem>> -> memref<128xi32, #tpu.memory_space<vmem>>
    %dma_wait3A_284 = arith.constant 0 : i32
    %dma_wait3A_285 = tpu.memref_slice %arg4[%dma_wait3A_284] : memref<81920000xf32, #tpu.memory_space<hbm>> -> memref<81920000xf32, #tpu.memory_space<hbm>>
    tpu.wait_indirect_dma semaphore(%arg8 : memref<!tpu.dma_semaphore, #tpu.memory_space<semaphore_mem>>) src(%arg7 : memref<128xf32, #tpu.memory_space<vmem>>) dst(%dma_wait3A_285 : memref<81920000xf32, #tpu.memory_space<hbm>>)
    %dma_wait3A_286 = arith.constant 19 : i32
    %dma_wait3A_287 = arith.constant 0 : i32
    %dma_wait3A_288 = tpu.memref_slice %arg6[%dma_wait3A_286, %dma_wait3A_287] : memref<20x128xi32, #tpu.memory_space<vmem>> -> memref<1x128xi32, #tpu.memory_space<vmem>>
    %dma_wait3A_289 = tpu.memref_squeeze %dma_wait3A_288 : memref<1x128xi32, #tpu.memory_space<vmem>> -> memref<128xi32, #tpu.memory_space<vmem>>
    %dma_wait3A_290 = arith.constant 0 : i32
    %dma_wait3A_291 = tpu.memref_slice %arg4[%dma_wait3A_290] : memref<81920000xf32, #tpu.memory_space<hbm>> -> memref<81920000xf32, #tpu.memory_space<hbm>>
    tpu.wait_indirect_dma semaphore(%arg8 : memref<!tpu.dma_semaphore, #tpu.memory_space<semaphore_mem>>) src(%arg7 : memref<128xf32, #tpu.memory_space<vmem>>) dst(%dma_wait3A_291 : memref<81920000xf32, #tpu.memory_space<hbm>>)
    return
  }
}

module attributes {stable_mosaic.version = 14 : i64} {
  func.func @body(%arg0: i32, %arg1: memref<64x20000xf32, #tpu.memory_space<vmem>>) attributes {dimension_semantics = [#tpu.dimension_semantics<arbitrary>], iteration_bounds = array<i64: 64>, scalar_prefetch = 0 : i64, scratch_operands = 0 : i64, tpu.core_type = #tpu.core_type<tc>, window_params = [{transform_indices = @transform_0, window_bounds = array<i64: 64, 20000>}]} {
    %broadcast_in_dim3A = arith.constant 0.000000e+00 : f32
    %broadcast_in_dim3A_0 = vector.broadcast %broadcast_in_dim3A : f32 to vector<64x20000xf32>
    %swap3A = arith.constant 0 : index
    %swap3A_1 = arith.constant 0 : index
    %swap3A_2 = vector.load %arg1[%swap3A, %swap3A_1] : memref<64x20000xf32, #tpu.memory_space<vmem>>, vector<64x20000xf32>
    tpu.vector_store %arg1[%swap3A, %swap3A_1], %broadcast_in_dim3A_0 {strides = array<i32>} : memref<64x20000xf32, #tpu.memory_space<vmem>>, vector<64x20000xf32>,
    return
  }
  func.func @transform_0(%arg0: i32) -> (i32, i32) {
    %c0_i32 = arith.constant 0 : i32
    %c0_i32_0 = arith.constant 0 : i32
    return %arg0, %c0_i32 : i32, i32
  }
}

</mosaic_0001>

<sc_bundles>
// kernel: kernel.4.cloned.1.call-start
scs
__scs_entry_jumppad:
0x0: {  	(pc) =	sbr.rel $0x88, $3  }
0x1: {  	(tag) =	ssettag $0x0;
	lr =	simm.s32 $0x1  }
0x2: {  	[smem:$0x3FA0] =	sst lr;
	_ =	strace $0xD0000000  }
0x3: {  	_ = 	snop  }
0x4: {  	_ = 	snop  }
0x5: {  	_ = 	snop  }
0x6: {  	_ = 	snop  }
0x7: {  	_ = 	snop  }
__scs_overlays_trampoline_lowered:
0x8: {  	[smem:$0x3FAF] =	sst s0  }
0x9: {  	[smem:$0x3FB0] =	sst s1  }
0xa: {  	[smem:$0x3FB1] =	sst s2  }
0xb: {  	[smem:$0x3FB2] =	sst s3  }
0xc: {  	[smem:$0x3FB3] =	sst s4  }
0xd: {  	[smem:$0x3FB4] =	sst s5  }
0xe: {  	[smem:$0x3FB5] =	sst s6  }
0xf: {  	[smem:$0x3FB6] =	sst s7  }
0x10: {  	[smem:$0x3FB7] =	sst s8  }
0x11: {  	[smem:$0x3FB8] =	sst s9;
	s0 =	simm.s32 @!p0 $0x0  }
0x12: {  	s1 =	sld [smem:$0x3F9E];
	s0 =	simm.s32 @p0 $0x1  }
0x13: {  	[smem:$0x3FB9] =	sst s0;
	s0 =	simm.s32 @!p1 $0x0  }
0x14: {  	s2 =	sld [smem:$0x3F9D];
	s0 =	simm.s32 @p1 $0x1  }
0x15: {  	[smem:$0x3FBA] =	sst s0;
	s0 =	simm.s32 @!p2 $0x0  }
0x16: {  	s3 =	sld [smem:$0x3FDB];
	s0 =	simm.s32 @p2 $0x1  }
0x17: {  	s4 =	simm.s32 $0x1BF5;
	[smem:$0x3FBC] =	sst s0  }
0x18: {  	s0 =	sld [smem:$0x3F9F];
	_ =	swait.ge [sflag:s4], $0x0  }
0x19: {  	s7 =	sld [smem:$0x3FA0]  }
0x1a: {  	s8 =	sadd.s32 $0xFFFFE003, lr  }
0x1b: {  	s9 =	sadd.s32 $0xFFFFFEF7, lr;
	s5 =	simm.s32 $0xFFFFFFFF;
	p2 =	slt.u32 s8, $0xFFFFF086  }
0x1c: {  	p1 =	slt.u32 s9, $0xF7A;
	s5 =	simm.s32 @!p2 $0x0  }
0x1d: {  	s5 =	simm.s32 @p1 $0x1;
	p0 =	seq.s32 s7, s2  }
0x1e: {  	s7 =	smul.u32 @!p0 $0xF7A, s2;
	p2 =	seq.s32 @!p0 s5, $0x0  }
0x1f: {  	s9 =	smul.u32 $0xF7A, s1;
	s8 =	simm.s32 @!p0 $0x1BF5;
	p2 =	por !p2, p0  }
0x20: {  	[sflag:s8] =	ssyncset.s32 @!p0 $0xFFFFF086;
	s6 =	sadd.s32 @!p0 s3, s7;
	s7 =	simm.s32 @!p0 $0x108  }
0x21: {  	s3 =	sadd.s32 s3, s9;
	s6 =	sadd.s32 @!p0 $0x88, s6;
	s7 =	simm.s32 @p2 $0x1082  }
0x22: {  	[simem:s7], [sflag:s8] =	dma.local @!p0 [hbm:s6], $0xF7A  }
0x23: {  	s9 =	sor.u32 $0xD0000000, s2;
	s6 =	simm.s32 $0x108;
	_ =	swait.ge @!p0 [sflag:s8], $0x0  }
0x24: {  	s3 =	sadd.s32 $0x88, s3;
	s6 =	simm.s32 @!p1 $0x1082;
	[sflag:s4] =	ssyncset.s32 $0xFFFFF086  }
0x25: {  	[simem:s6], [sflag:s4] =	dma.local [hbm:s3], $0xF7A  }
0x26: {  	[smem:$0x3FA0] =	sst s1;
	(tag) =	ssettag s2;
	_ =	strace s9  }
0x27: {  	s1 =	sld [smem:$0x3FB0]  }
0x28: {  	s2 =	sld [smem:$0x3FB1]  }
0x29: {  	s4 =	sld [smem:$0x3FB3]  }
0x2a: {  	p0 =	seq.s32 s5, $0x0;
	s5 =	sld [smem:$0x3FB4]  }
0x2b: {  	s6 =	sld [smem:$0x3FB5]  }
0x2c: {  	s7 =	sld [smem:$0x3FB6]  }
0x2d: {  	s3 =	simm.s32 $0x108;
	s8 =	sld [smem:$0x3FB7]  }
0x2e: {  	s3 =	simm.s32 @!p0 $0x1082;
	s9 =	sld [smem:$0x3FB8]  }
0x2f: {  	lr =	sadd.s32 s0, s3;
	s0 =	sld [smem:$0x3FAF]  }
0x30: {  	s3 =	sld [smem:$0x3FB2]  }
0x31: {  	[smem:$0x3FBB] =	sst s10  }
0x32: {  	s10 =	sld [smem:$0x3FB9];
	_ =	sdelay $0x3  }
0x33: {  	p0 =	seq.s32 s10, $0x1;
	s10 =	sld [smem:$0x3FBB];
	_ =	sdelay $0x3  }
0x34: {  	[smem:$0x3FBB] =	sst s10  }
0x35: {  	s10 =	sld [smem:$0x3FBA];
	_ =	sdelay $0x3  }
0x36: {  	p1 =	seq.s32 s10, $0x1;
	s10 =	sld [smem:$0x3FBB];
	_ =	sdelay $0x3  }
0x37: {  	[smem:$0x3FBB] =	sst s10  }
0x38: {  	s10 =	sld [smem:$0x3FBC]  }
0x39: {  	_ = 	snop;
	(pc) =	sbr.ind lr, $3  }
0x3a: {  	_ = 	snop  }
0x3b: {  	_ = 	snop  }
0x3c: {  	p2 =	seq.s32 s10, $0x1;
	s10 =	sld [smem:$0x3FBB]  }
0x3d: {  	_ =	shalt  }
0x3e: {  	_ =	shalt  }
0x3f: {  	_ =	shalt  }
0x40: {  	_ =	shalt  }
0x41: {  	_ =	shalt  }
0x42: {  	_ =	shalt  }
0x43: {  	_ =	shalt  }
0x44: {  	_ =	shalt  }
0x45: {  	_ =	shalt  }
0x46: {  	_ =	shalt  }
0x47: {  	_ =	shalt  }
0x48: {  	_ =	shalt  }
0x49: {  	_ =	shalt  }
0x4a: {  	_ =	shalt  }
0x4b: {  	_ =	shalt  }
0x4c: {  	_ =	shalt  }
0x4d: {  	_ =	shalt  }
0x4e: {  	_ =	shalt  }
0x4f: {  	_ =	shalt  }
0x50: {  	_ =	shalt  }
0x51: {  	_ =	shalt  }
0x52: {  	_ =	shalt  }
0x53: {  	_ =	shalt  }
0x54: {  	_ =	shalt  }
0x55: {  	_ =	shalt  }
0x56: {  	_ =	shalt  }
0x57: {  	_ =	shalt  }
0x58: {  	_ =	shalt  }
0x59: {  	_ =	shalt  }
0x5a: {  	_ =	shalt  }
0x5b: {  	_ =	shalt  }
0x5c: {  	_ =	shalt  }
0x5d: {  	_ =	shalt  }
0x5e: {  	_ =	shalt  }
0x5f: {  	_ =	shalt  }
0x60: {  	_ =	shalt  }
0x61: {  	_ =	shalt  }
0x62: {  	_ =	shalt  }
0x63: {  	_ =	shalt  }
0x64: {  	_ =	shalt  }
0x65: {  	_ =	shalt  }
0x66: {  	_ =	shalt  }
0x67: {  	_ =	shalt  }
0x68: {  	_ =	shalt  }
0x69: {  	_ =	shalt  }
0x6a: {  	_ =	shalt  }
0x6b: {  	_ =	shalt  }
0x6c: {  	_ =	shalt  }
0x6d: {  	_ =	shalt  }
0x6e: {  	_ =	shalt  }
0x6f: {  	_ =	shalt  }
0x70: {  	_ =	shalt  }
0x71: {  	_ =	shalt  }
0x72: {  	_ =	shalt  }
0x73: {  	_ =	shalt  }
0x74: {  	_ =	shalt  }
0x75: {  	_ =	shalt  }
0x76: {  	_ =	shalt  }
0x77: {  	_ =	shalt  }
0x78: {  	_ =	shalt  }
0x79: {  	_ =	shalt  }
0x7a: {  	_ =	shalt  }
0x7b: {  	_ =	shalt  }
0x7c: {  	_ =	shalt  }
0x7d: {  	_ =	shalt  }
0x7e: {  	_ =	shalt  }
0x7f: {  	_ =	shalt  }
0x80: {  	_ =	shalt  }
0x81: {  	_ =	shalt  }
0x82: {  	_ =	shalt  }
0x83: {  	_ =	shalt  }
0x84: {  	_ =	shalt  }
0x85: {  	_ =	shalt  }
0x86: {  	_ =	shalt  }
0x87: {  	_ =	shalt  }
.Lfunc_end0:
.L_simem_size_0:
called_computation.1_lowered:
.L_overlay_start_0:
0x88: {  	s2 =	sld [smem:$0x3FD9]  }
0x89: {  	s3 =	sld [smem:$0x3FFE];
	_ =	sdelay $0x1  }
0x8a: {  	s1 =	srdreg.scid  }
0x8b: {  	s0 =	sand.u32 $0x1, s1  }
0x8c: {  	s17 =	sshll.u32 s0, $0xA;
	s2 =	sadd.s32 s3, s2  }
0x8d: {  	s2 =	sadd.s32 s2, s17  }
0x8e: {  	[smem:$0x3FC7] =	sst s2  }
0x8f: {  	_ = 	snop  }
0x90: {  	s2 =	sld [smem:$0x3FD0];
	(tm) =	ssettm $0x1  }
0x91: {  	s18 =	sld [smem:$0x3FFB];
	_ =	sdelay $0x3  }
0x92: {  	_ =	strace s18  }
0x93: {  	s3 =	sld [smem:$0x3FFC];
	_ =	sdelay $0x3  }
0x94: {  	_ =	strace s3  }
0x95: {  	s3 =	sld [smem:$0x3FFD];
	_ =	sdelay $0x3  }
0x96: {  	_ =	strace s3  }
0x97: {  	_ =	strace $0x8FFFFFFF  }
0x98: {  	s19 =	sld [smem:$0x3FDB];
	_ =	sdelay $0x1  }
0x99: {  	s4 =	simm.s32 $_scs_section_size  }
0x9a: {  	s5 =	simm.s32 $_size__tile_overlayer_lowered;
	s6 =	simm.s32 $_tile_overlayer_lowered  }
0x9b: {  	s22 =	simm.s32 $0x1BFF;
	s21 =	sshll.u32 s6, $0x1;
	s3 =	sadd.s32 s4, s19  }
0x9c: {  	s7 =	simm.s32 $0x0;
	s20 =	sshll.u32 s5, $0x1;
	s5 =	sadd.s32 s21, s3  }
0x9d: {  	[timem:s7], [sflag:s22] =	dma.local [hbm:s5], s20  }
0x9e: {  	_ =	swait.ge [sflag:s22], s20  }
0x9f: {  	s4 =	ssub.s32 $0x0, s20;
	[sflag:s22] =	ssyncset.done $0x0  }
0xa0: {  	[sflag:s22] =	ssyncadd.s32 s4;
	_ =	sdelay $0x1  }
0xa1: {  	s23 =	simm.s32 $0x1B8B  }
0xa2: {  	_ =	swait.ge [sflag:s23], $0x1  }
0xa3: {  	[sflag:s23] =	ssyncset.done $0x0  }
0xa4: {  	s25 =	simm.s32 $0x1B8E;
	s24 =	sld [smem:$0x3FFE];
	[sflag:s23] =	ssyncadd.s32 $0xFFFFFFFF  }
0xa5: {  	s26 =	simm.s32 $execute0_lowered;
	[smem:$0x3FD2] =	sst s25  }
0xa6: {  	s5 =	sshll.u32 s26, $0x1;
	_ =	strace $0x80000046;
	[dreg:$0x1] =	wrdreg $0xFFFFFFFF  }
0xa7: {  	s28 =	simm.s32 $_size_execute0_lowered;
	s3 =	sadd.s32 s3, s5;
	[dreg:$0x0] =	wrdreg $0x0  }
0xa8: {  	s5 =	sshll.u32 s28, $0x1;
	[dreg:$0x2] =	wrdreg s3  }
0xa9: {  	[dreg:$0x3] =	wrdreg s5  }
0xaa: {  	[dreg:$0x4] =	wrdreg $0xC0  }
0xab: {  	_ =	task [dreg:s7], $0x5FFFF  }
0xac: {  	[dreg:$0x1] =	wrdreg $0xFFFFFFFF  }
0xad: {  	[dreg:$0x0] =	wrdreg $0x60  }
0xae: {  	[dreg:$0x2] =	wrdreg s24  }
0xaf: {  	[dreg:$0x3] =	wrdreg s2  }
0xb0: {  	[dreg:$0x4] =	wrdreg $0x9  }
0xb1: {  	_ =	task.clear_ibuf [dreg:s7], $0x5FFFF;
	_ =	strace $0x90000046  }
0xb2: {  	s29 =	simm.s32 $0x9;
	_ =	strace $0x80000048  }
0xb3: {  	_ =	swait.ge [sflag:s29], $0x1  }
0xb4: {  	[sflag:s29] =	ssyncadd.s32 $0xFFFFFFFF  }
0xb5: {  	_ =	strace $0x90000048  }
0xb6: {  	_ =	sfence  }
0xb7: {  	s30 =	sld [smem:$0x0];
	_ =	sdelay $0x2  }
0xb8: {  	s31 =	sshll.u32 s1, $0xD;
	s1 =	sshrl.u32 s1, $0x2  }
0xb9: {  	s3 =	sand.u32 $0x4000, s31;
	s1 =	sadd.s32 s1, s30  }
0xba: {  	s0 =	sor.u32 s3, s0;
	s1 =	sshll.u32 s1, $0x11  }
0xbb: {  	s0 =	sor.u32 s1, s0  }
0xbc: {  	s0 =	sadd.s32 $0x8F2B, s0  }
0xbd: {  	[sflag:s0] =	ssyncadd.remote.s32 $0x1  }
0xbe: {  	_ =	sfence.sel $0xFFFF  }
0xbf: {  	[dreg:$0x0] =	wrdreg $0xFFFFFFFF;
	(pc) =	sbr.abs _section_cstart, $3  }
0xc0: {  	[dreg:$0x1] =	wrdreg $0xFFFFFFFF  }
0xc1: {  	_ =	task.clear_ibuf [dreg:s7], $0x2FFFF;
	_ =	strace $0x9FFFFFFF  }
0xc2: {  	(tm) =	ssettm $0x7FFFFFFF  }
0xc3: {  	_ =	shalt  }
tec
execute0_lowered:
.L_overlay_start_1:
0x0: {  	(tag) =	ssettag $0x1  }
0x1: {  	s0 =	srdreg.scid;
	s1 =	rddreg [dreg:$0x0]  }
0x2: {  	s5 =	stileid.u32;
	s2 =	rddreg [dreg:$0x1]  }
0x3: {  	s4 =	simm.s32 $0x0;
	s7 =	simm.s32 $0x2;
	s8 =	simm.s32 $0x80  }
0x4: {  	s10 =	simm.s32 $0x1600;
	s13 =	simm.s32 $0xB80;
	s14 =	simm.s32 $0xC00  }
0x5: {  	s15 =	simm.s32 $0xC80;
	s16 =	simm.s32 $0xD00;
	s17 =	simm.s32 $0xD80  }
0x6: {  	s18 =	simm.s32 $0xE00;
	s19 =	simm.s32 $0xE80;
	s20 =	simm.s32 $0xF00  }
0x7: {  	s21 =	simm.s32 $0xF80;
	s22 =	simm.s32 $0x1000;
	s23 =	simm.s32 $0x1080  }
0x8: {  	s24 =	simm.s32 $0x1100;
	s0 =	sand.u32 $0x1, s0;
	s3 =	sshll.u32 s5, $0x1  }
0x9: {  	s28 =	simm.s32 $0x1280;
	s6 =	smul.u32 $0x1400, s5;
	s3 =	sor.u32 s0, s3  }
0xa: {  	s29 =	simm.s32 $0x1300;
	s30 =	simm.s32 $0x1380;
	s3 =	smul.u32 $0xA00, s3  }
0xb: {  	[smem:$0x7FF] =	sst s4;
	s25 =	ssub.s32 $0x2, s0;
	s0 =	smul.u32 $0xA00, s0  }
0xc: {  	s31 =	simm.s32 $0x1;
	_ =	strace $0x80000047;
	s3 =	sshrl.u32 s3, $0x3  }
0xd: {  	s26 =	sshrl.u32 s25, $0x1;
	s6 =	sadd.s32 s0, s6;
	s1 =	sadd.s32 s3, s1  }
0xe: {  	s3 =	ssub.s32 s25, s26;
	s25 =	simm.s32 $0x1180;
	s26 =	simm.s32 $0x1200  }
0xf: {  	v0 =	vimm.f32 $1.000000000e+00;
	v1 =	vlaneseq.u32;
	s4 =	sadd.s32 $0x9D0A00, s1;
	s5 =	smax.u32 s3, $0x1;
	s1 =	simm.s32 $0x0  }
.LBB2_1:
0x10: {  	s0 =	simm.s32 $0x0  }
0x11: {  	[tilespmem:s0], [sflag:$0x2] =	stream.linear.gather [hbm4b:s4+s0], $0xA00, $0x38;
	[tilespmem:$0x1680] =	vst v63  }
0x12: {  	_ =	swait.ge [sflag:s7], $0xA00  }
0x13: {  	[sflag:s7] =	ssyncset.done $0x0  }
0x14: {  	[sflag:s7] =	ssyncadd.s32 $0xFFFFF600  }
0x15: {  	[tilespmem:$0x1600] =	vst v0  }
0x16: {  	s3 =	sadd.s32 $0x0, s6;
	[tilespmem:$0x1610] =	vst v0  }
0x17: {  	v2 =	vor.u32 s3, v1;
	[tilespmem:$0x1620] =	vst v0  }
0x18: {  	v3 =	vcvt.s32.f32 v2;
	[tilespmem:$0x1630] =	vst v0  }
0x19: {  	[tilespmem:$0x1640] =	vst v0  }
0x1a: {  	v3 =	vadd.f32 $5.000000000e-01, v3;
	[tilespmem:$0x1650] =	vst v0  }
0x1b: {  	[tilespmem:$0x1660] =	vst v0  }
0x1c: {  	s9 =	simm.s32 $0x40;
	[tilespmem:$0x1670] =	vst v0;
	v3 =	vmul.f32 $5.000000070e-02, v3  }
0x1d: {  	v4 =	vld [tilespmem:s9+$0xFFFFFFC0]  }
0x1e: {  	v3 =	vtrunc.f32 v3  }
0x1f: {  	s11 =	sadd.s32 $0x10, s3;
	v3 =	vcvt.f32.s32 v3  }
0x20: {  	v5 =	vor.u32 s11, v1  }
0x21: {  	v6 =	vcvt.s32.f32 v5;
	v3 =	vmul.u32 $0x4E0C, v3  }
0x22: {  	v4 =	vmul.u32 $0x14, v4  }
0x23: {  	v2 =	vadd.s32 v2, v3;
	v3 =	vadd.f32 $5.000000000e-01, v6  }
0x24: {  	s0 =	simm.s32 $0xA40;
	v2 =	vadd.s32 v4, v2  }
0x25: {  	[tilespmem:s0+$0xFFFFFFC0] =	vst v2;
	v2 =	vmul.f32 $5.000000070e-02, v3  }
0x26: {  	v3 =	vld [tilespmem:s9+$0xFFFFFFD0]  }
0x27: {  	v2 =	vtrunc.f32 v2  }
0x28: {  	s11 =	sadd.s32 $0x20, s3;
	v2 =	vcvt.f32.s32 v2  }
0x29: {  	v4 =	vor.u32 s11, v1  }
0x2a: {  	v6 =	vcvt.s32.f32 v4;
	v2 =	vmul.u32 $0x4E0C, v2  }
0x2b: {  	v3 =	vmul.u32 $0x14, v3  }
0x2c: {  	v2 =	vadd.s32 v5, v2;
	v5 =	vadd.f32 $5.000000000e-01, v6  }
0x2d: {  	v2 =	vadd.s32 v3, v2  }
0x2e: {  	[tilespmem:s0+$0xFFFFFFD0] =	vst v2;
	v2 =	vmul.f32 $5.000000070e-02, v5  }
0x2f: {  	v3 =	vld [tilespmem:s9+$0xFFFFFFE0]  }
0x30: {  	v2 =	vtrunc.f32 v2  }
0x31: {  	s12 =	sadd.s32 $0x30, s3;
	v2 =	vcvt.f32.s32 v2  }
0x32: {  	v5 =	vor.u32 s12, v1  }
0x33: {  	v6 =	vcvt.s32.f32 v5;
	v2 =	vmul.u32 $0x4E0C, v2  }
0x34: {  	v3 =	vmul.u32 $0x14, v3  }
0x35: {  	v2 =	vadd.s32 v4, v2;
	v4 =	vadd.f32 $5.000000000e-01, v6  }
0x36: {  	v2 =	vadd.s32 v3, v2  }
0x37: {  	[tilespmem:s0+$0xFFFFFFE0] =	vst v2;
	v2 =	vmul.f32 $5.000000070e-02, v4  }
0x38: {  	v3 =	vld [tilespmem:s9+$0xFFFFFFF0]  }
0x39: {  	v2 =	vtrunc.f32 v2  }
0x3a: {  	s12 =	sadd.s32 $0x40, s3;
	v2 =	vcvt.f32.s32 v2  }
0x3b: {  	v4 =	vor.u32 s12, v1  }
0x3c: {  	v6 =	vcvt.s32.f32 v4;
	v2 =	vmul.u32 $0x4E0C, v2  }
0x3d: {  	v3 =	vmul.u32 $0x14, v3  }
0x3e: {  	v2 =	vadd.s32 v5, v2;
	v5 =	vadd.f32 $5.000000000e-01, v6  }
0x3f: {  	v2 =	vadd.s32 v3, v2  }
0x40: {  	[tilespmem:s0+$0xFFFFFFF0] =	vst v2;
	v2 =	vmul.f32 $5.000000070e-02, v5  }
0x41: {  	v3 =	vld [tilespmem:s9+$0x0]  }
0x42: {  	v2 =	vtrunc.f32 v2  }
0x43: {  	s12 =	sadd.s32 $0x50, s3;
	v2 =	vcvt.f32.s32 v2  }
0x44: {  	v5 =	vor.u32 s12, v1  }
0x45: {  	v6 =	vcvt.s32.f32 v5;
	v2 =	vmul.u32 $0x4E0C, v2  }
0x46: {  	v3 =	vmul.u32 $0x14, v3  }
0x47: {  	v2 =	vadd.s32 v4, v2;
	v4 =	vadd.f32 $5.000000000e-01, v6  }
0x48: {  	v2 =	vadd.s32 v3, v2  }
0x49: {  	[tilespmem:s0+$0x0] =	vst v2;
	v2 =	vmul.f32 $5.000000070e-02, v4  }
0x4a: {  	v3 =	vld [tilespmem:s9+$0x10]  }
0x4b: {  	v2 =	vtrunc.f32 v2  }
0x4c: {  	s12 =	sadd.s32 $0x60, s3;
	v2 =	vcvt.f32.s32 v2  }
0x4d: {  	v4 =	vor.u32 s12, v1  }
0x4e: {  	v6 =	vcvt.s32.f32 v4;
	v2 =	vmul.u32 $0x4E0C, v2  }
0x4f: {  	v3 =	vmul.u32 $0x14, v3  }
0x50: {  	v2 =	vadd.s32 v5, v2;
	v5 =	vadd.f32 $5.000000000e-01, v6  }
0x51: {  	v2 =	vadd.s32 v3, v2  }
0x52: {  	[tilespmem:s0+$0x10] =	vst v2;
	v2 =	vmul.f32 $5.000000070e-02, v5  }
0x53: {  	v3 =	vld [tilespmem:s9+$0x20]  }
0x54: {  	v5 =	vtrunc.f32 v2  }
0x55: {  	s3 =	sadd.s32 $0x70, s3;
	v5 =	vcvt.f32.s32 v5  }
0x56: {  	v2 =	vor.u32 s3, v1  }
0x57: {  	v6 =	vcvt.s32.f32 v2;
	v5 =	vmul.u32 $0x4E0C, v5  }
0x58: {  	v3 =	vmul.u32 $0x14, v3  }
0x59: {  	v6 =	vadd.f32 $5.000000000e-01, v6;
	v4 =	vadd.s32 v4, v5  }
0x5a: {  	v3 =	vadd.s32 v3, v4  }
0x5b: {  	v5 =	vmul.f32 $5.000000070e-02, v6;
	[tilespmem:s0+$0x20] =	vst v3  }
0x5c: {  	v3 =	vld [tilespmem:s9+$0x30]  }
0x5d: {  	v4 =	vtrunc.f32 v5  }
0x5e: {  	s11 =	simm.s32 $0x100;
	s3 =	sadd.s32 $0x80, s6;
	v4 =	vcvt.f32.s32 v4  }
.LBB2_2:
0x5f: {  	p0 =	sne.s32 s11, $0x980;
	v5 =	vor.u32 s3, v1  }
0x60: {  	v6 =	vcvt.s32.f32 v5;
	v4 =	vmul.u32 $0x4E0C, v4  }
0x61: {  	v3 =	vmul.u32 $0x14, v3  }
0x62: {  	v6 =	vadd.f32 $5.000000000e-01, v6;
	v2 =	vadd.s32 v2, v4  }
0x63: {  	v2 =	vadd.s32 v3, v2  }
0x64: {  	s9 =	sadd.s32 $0x80, s9;
	v3 =	vmul.f32 $5.000000070e-02, v6;
	[tilespmem:s0+$0x30] =	vst v2  }
0x65: {  	v2 =	vld [tilespmem:s9+$0xFFFFFFC0]  }
0x66: {  	v3 =	vtrunc.f32 v3  }
0x67: {  	s12 =	sadd.s32 $0x10, s3;
	v3 =	vcvt.f32.s32 v3  }
0x68: {  	v4 =	vor.u32 s12, v1  }
0x69: {  	v6 =	vcvt.s32.f32 v4;
	v3 =	vmul.u32 $0x4E0C, v3  }
0x6a: {  	v2 =	vmul.u32 $0x14, v2  }
0x6b: {  	v3 =	vadd.s32 v5, v3;
	v5 =	vadd.f32 $5.000000000e-01, v6  }
0x6c: {  	s0 =	sadd.s32 $0x80, s0;
	v2 =	vadd.s32 v2, v3  }
0x6d: {  	[tilespmem:s0+$0xFFFFFFC0] =	vst v2;
	v2 =	vmul.f32 $5.000000070e-02, v5  }
0x6e: {  	v3 =	vld [tilespmem:s9+$0xFFFFFFD0]  }
0x6f: {  	v2 =	vtrunc.f32 v2  }
0x70: {  	s12 =	sadd.s32 $0x20, s3;
	v2 =	vcvt.f32.s32 v2  }
0x71: {  	v5 =	vor.u32 s12, v1  }
0x72: {  	v6 =	vcvt.s32.f32 v5;
	v2 =	vmul.u32 $0x4E0C, v2  }
0x73: {  	v3 =	vmul.u32 $0x14, v3  }
0x74: {  	v2 =	vadd.s32 v4, v2;
	v4 =	vadd.f32 $5.000000000e-01, v6  }
0x75: {  	v2 =	vadd.s32 v3, v2  }
0x76: {  	[tilespmem:s0+$0xFFFFFFD0] =	vst v2;
	v2 =	vmul.f32 $5.000000070e-02, v4  }
0x77: {  	v3 =	vld [tilespmem:s9+$0xFFFFFFE0]  }
0x78: {  	v2 =	vtrunc.f32 v2  }
0x79: {  	s12 =	sadd.s32 $0x30, s3;
	v2 =	vcvt.f32.s32 v2  }
0x7a: {  	v4 =	vor.u32 s12, v1  }
0x7b: {  	v6 =	vcvt.s32.f32 v4;
	v2 =	vmul.u32 $0x4E0C, v2  }
0x7c: {  	v3 =	vmul.u32 $0x14, v3  }
0x7d: {  	v2 =	vadd.s32 v5, v2;
	v5 =	vadd.f32 $5.000000000e-01, v6  }
0x7e: {  	v2 =	vadd.s32 v3, v2  }
0x7f: {  	[tilespmem:s0+$0xFFFFFFE0] =	vst v2;
	v2 =	vmul.f32 $5.000000070e-02, v5  }
0x80: {  	v3 =	vld [tilespmem:s9+$0xFFFFFFF0]  }
0x81: {  	v2 =	vtrunc.f32 v2  }
0x82: {  	s12 =	sadd.s32 $0x40, s3;
	v2 =	vcvt.f32.s32 v2  }
0x83: {  	v5 =	vor.u32 s12, v1  }
0x84: {  	v6 =	vcvt.s32.f32 v5;
	v2 =	vmul.u32 $0x4E0C, v2  }
0x85: {  	v3 =	vmul.u32 $0x14, v3  }
0x86: {  	v2 =	vadd.s32 v4, v2;
	v4 =	vadd.f32 $5.000000000e-01, v6  }
0x87: {  	v2 =	vadd.s32 v3, v2  }
0x88: {  	[tilespmem:s0+$0xFFFFFFF0] =	vst v2;
	v2 =	vmul.f32 $5.000000070e-02, v4  }
0x89: {  	v3 =	vld [tilespmem:s9+$0x0]  }
0x8a: {  	v2 =	vtrunc.f32 v2  }
0x8b: {  	s12 =	sadd.s32 $0x50, s3;
	v2 =	vcvt.f32.s32 v2  }
0x8c: {  	v4 =	vor.u32 s12, v1  }
0x8d: {  	v6 =	vcvt.s32.f32 v4;
	v2 =	vmul.u32 $0x4E0C, v2  }
0x8e: {  	v3 =	vmul.u32 $0x14, v3  }
0x8f: {  	v2 =	vadd.s32 v5, v2;
	v5 =	vadd.f32 $5.000000000e-01, v6  }
0x90: {  	v2 =	vadd.s32 v3, v2  }
0x91: {  	[tilespmem:s0+$0x0] =	vst v2;
	v2 =	vmul.f32 $5.000000070e-02, v5  }
0x92: {  	v3 =	vld [tilespmem:s9+$0x10]  }
0x93: {  	v2 =	vtrunc.f32 v2  }
0x94: {  	s12 =	sadd.s32 $0x60, s3;
	v2 =	vcvt.f32.s32 v2  }
0x95: {  	v5 =	vor.u32 s12, v1  }
0x96: {  	v6 =	vcvt.s32.f32 v5;
	v2 =	vmul.u32 $0x4E0C, v2  }
0x97: {  	v3 =	vmul.u32 $0x14, v3  }
0x98: {  	v2 =	vadd.s32 v4, v2;
	v4 =	vadd.f32 $5.000000000e-01, v6  }
0x99: {  	v2 =	vadd.s32 v3, v2  }
0x9a: {  	[tilespmem:s0+$0x10] =	vst v2;
	v2 =	vmul.f32 $5.000000070e-02, v4  }
0x9b: {  	v3 =	vld [tilespmem:s9+$0x20]  }
0x9c: {  	v2 =	vtrunc.f32 v2  }
0x9d: {  	s3 =	sadd.s32 $0x70, s3;
	v4 =	vcvt.f32.s32 v2  }
0x9e: {  	v2 =	vor.u32 s3, v1  }
0x9f: {  	v6 =	vcvt.s32.f32 v2;
	v4 =	vmul.u32 $0x4E0C, v4  }
0xa0: {  	v3 =	vmul.u32 $0x14, v3  }
0xa1: {  	v4 =	vadd.s32 v5, v4;
	v5 =	vadd.f32 $5.000000000e-01, v6  }
.Ltmp0:
0xa2: {  	v3 =	vadd.s32 v3, v4;
	(pc) =	sbr.rel @p0 .LBB2_2-.Ltmp0, $4  }
0xa3: {  	[tilespmem:s0+$0x20] =	vst v3;
	v4 =	vmul.f32 $5.000000070e-02, v5  }
0xa4: {  	v3 =	vld [tilespmem:s9+$0x30]  }
0xa5: {  	v4 =	vtrunc.f32 v4  }
0xa6: {  	s3 =	sadd.s32 s11, s6;
	s11 =	sadd.s32 $0x80, s11;
	v4 =	vcvt.f32.s32 v4  }
0xa7: {  	v5 =	vor.u32 s3, v1  }
0xa8: {  	v6 =	vcvt.s32.f32 v5;
	v4 =	vmul.u32 $0x4E0C, v4  }
0xa9: {  	v3 =	vmul.u32 $0x14, v3  }
0xaa: {  	v6 =	vadd.f32 $5.000000000e-01, v6;
	v2 =	vadd.s32 v2, v4  }
0xab: {  	v2 =	vadd.s32 v3, v2  }
0xac: {  	s9 =	sadd.s32 $0x80, s9;
	v3 =	vmul.f32 $5.000000070e-02, v6;
	[tilespmem:s0+$0x30] =	vst v2  }
0xad: {  	v2 =	vld [tilespmem:s9+$0xFFFFFFC0]  }
0xae: {  	v3 =	vtrunc.f32 v3  }
0xaf: {  	s11 =	sadd.s32 $0x10, s3;
	v3 =	vcvt.f32.s32 v3  }
0xb0: {  	v43 =	vor.u32 s11, v1  }
0xb1: {  	v44 =	vcvt.s32.f32 v43;
	v3 =	vmul.u32 $0x4E0C, v3  }
0xb2: {  	v2 =	vmul.u32 $0x14, v2  }
0xb3: {  	v45 =	vadd.f32 $5.000000000e-01, v44;
	v3 =	vadd.s32 v5, v3  }
0xb4: {  	s0 =	sadd.s32 $0x80, s0;
	v2 =	vadd.s32 v2, v3  }
0xb5: {  	[tilespmem:s0+$0xFFFFFFC0] =	vst v2;
	v2 =	vmul.f32 $5.000000070e-02, v45  }
0xb6: {  	v3 =	vld [tilespmem:s9+$0xFFFFFFD0]  }
0xb7: {  	v2 =	vtrunc.f32 v2  }
0xb8: {  	s12 =	sadd.s32 $0x20, s3;
	v2 =	vcvt.f32.s32 v2  }
0xb9: {  	v46 =	vor.u32 s12, v1  }
0xba: {  	v47 =	vcvt.s32.f32 v46;
	v2 =	vmul.u32 $0x4E0C, v2  }
0xbb: {  	v3 =	vmul.u32 $0x14, v3  }
0xbc: {  	v48 =	vadd.f32 $5.000000000e-01, v47;
	v2 =	vadd.s32 v43, v2  }
0xbd: {  	v2 =	vadd.s32 v3, v2  }
0xbe: {  	[tilespmem:s0+$0xFFFFFFD0] =	vst v2;
	v2 =	vmul.f32 $5.000000070e-02, v48  }
0xbf: {  	v3 =	vld [tilespmem:s9+$0xFFFFFFE0]  }
0xc0: {  	v2 =	vtrunc.f32 v2  }
0xc1: {  	s12 =	sadd.s32 $0x30, s3;
	v2 =	vcvt.f32.s32 v2  }
0xc2: {  	v49 =	vor.u32 s12, v1  }
0xc3: {  	v50 =	vcvt.s32.f32 v49;
	v2 =	vmul.u32 $0x4E0C, v2  }
0xc4: {  	v3 =	vmul.u32 $0x14, v3  }
0xc5: {  	v51 =	vadd.f32 $5.000000000e-01, v50;
	v2 =	vadd.s32 v46, v2  }
0xc6: {  	v2 =	vadd.s32 v3, v2  }
0xc7: {  	[tilespmem:s0+$0xFFFFFFE0] =	vst v2;
	v2 =	vmul.f32 $5.000000070e-02, v51  }
0xc8: {  	v3 =	vld [tilespmem:s9+$0xFFFFFFF0]  }
0xc9: {  	v2 =	vtrunc.f32 v2  }
0xca: {  	s12 =	sadd.s32 $0x40, s3;
	v2 =	vcvt.f32.s32 v2  }
0xcb: {  	v52 =	vor.u32 s12, v1  }
0xcc: {  	v53 =	vcvt.s32.f32 v52;
	v2 =	vmul.u32 $0x4E0C, v2  }
0xcd: {  	v3 =	vmul.u32 $0x14, v3  }
0xce: {  	v54 =	vadd.f32 $5.000000000e-01, v53;
	v2 =	vadd.s32 v49, v2  }
0xcf: {  	v2 =	vadd.s32 v3, v2  }
0xd0: {  	[tilespmem:s0+$0xFFFFFFF0] =	vst v2;
	v2 =	vmul.f32 $5.000000070e-02, v54  }
0xd1: {  	v3 =	vld [tilespmem:s9+$0x0]  }
0xd2: {  	v2 =	vtrunc.f32 v2  }
0xd3: {  	s12 =	sadd.s32 $0x50, s3;
	v2 =	vcvt.f32.s32 v2  }
0xd4: {  	v55 =	vor.u32 s12, v1  }
0xd5: {  	v56 =	vcvt.s32.f32 v55;
	v2 =	vmul.u32 $0x4E0C, v2  }
0xd6: {  	v3 =	vmul.u32 $0x14, v3  }
0xd7: {  	v57 =	vadd.f32 $5.000000000e-01, v56;
	v2 =	vadd.s32 v52, v2  }
0xd8: {  	v2 =	vadd.s32 v3, v2  }
0xd9: {  	[tilespmem:s0+$0x0] =	vst v2;
	v2 =	vmul.f32 $5.000000070e-02, v57  }
0xda: {  	v3 =	vld [tilespmem:s9+$0x10]  }
0xdb: {  	v2 =	vtrunc.f32 v2  }
0xdc: {  	s12 =	sadd.s32 $0x60, s3;
	v2 =	vcvt.f32.s32 v2  }
0xdd: {  	v58 =	vor.u32 s12, v1  }
0xde: {  	v59 =	vcvt.s32.f32 v58;
	v2 =	vmul.u32 $0x4E0C, v2  }
0xdf: {  	v3 =	vmul.u32 $0x14, v3  }
0xe0: {  	v60 =	vadd.f32 $5.000000000e-01, v59;
	v2 =	vadd.s32 v55, v2  }
0xe1: {  	v2 =	vadd.s32 v3, v2  }
0xe2: {  	[tilespmem:s0+$0x10] =	vst v2;
	v2 =	vmul.f32 $5.000000070e-02, v60  }
0xe3: {  	v3 =	vld [tilespmem:s9+$0x20]  }
0xe4: {  	v2 =	vtrunc.f32 v2  }
0xe5: {  	s12 =	sadd.s32 $0x70, s3;
	v2 =	vcvt.f32.s32 v2  }
0xe6: {  	v61 =	vor.u32 s12, v1  }
0xe7: {  	v62 =	vcvt.s32.f32 v61;
	v2 =	vmul.u32 $0x4E0C, v2  }
0xe8: {  	v3 =	vmul.u32 $0x14, v3  }
0xe9: {  	v63 =	vadd.f32 $5.000000000e-01, v62;
	v2 =	vadd.s32 v58, v2  }
0xea: {  	v2 =	vadd.s32 v3, v2  }
0xeb: {  	[tilespmem:s0+$0x20] =	vst v2;
	v2 =	vmul.f32 $5.000000070e-02, v63  }
0xec: {  	v3 =	vld [tilespmem:s9+$0x30]  }
0xed: {  	v2 =	vtrunc.f32 v2  }
0xee: {  	v2 =	vcvt.f32.s32 v2;
	_ =	sdelay $0x1  }
0xef: {  	v2 =	vmul.u32 $0x4E0C, v2  }
0xf0: {  	v3 =	vmul.u32 $0x14, v3  }
0xf1: {  	v2 =	vadd.s32 v61, v2  }
0xf2: {  	v2 =	vadd.s32 v3, v2  }
0xf3: {  	s9 =	simm.s32 $0xA00;
	[tilespmem:s0+$0x30] =	vst v2  }
0xf4: {  	[hbm4b:s2+s8] =	stream.indirect.scatter [tilespmem:s10], [sflag:$0x1], $0x1, s9, s8, $0xb8;
	[tilespmem:$0x1680] =	vst v63  }
0xf5: {  	s11 =	simm.s32 $0xA80  }
0xf6: {  	[hbm4b:s2+s8] =	stream.indirect.scatter [tilespmem:s10], [sflag:$0x1], $0x1, s11, s8, $0xb8;
	[tilespmem:$0x1680] =	vst v63  }
0xf7: {  	s12 =	simm.s32 $0xB00  }
0xf8: {  	[hbm4b:s2+s8] =	stream.indirect.scatter [tilespmem:s10], [sflag:$0x1], $0x1, s12, s8, $0xb8;
	[tilespmem:$0x1680] =	vst v63  }
0xf9: {  	_ = 	snop  }
0xfa: {  	[hbm4b:s2+s8] =	stream.indirect.scatter [tilespmem:s10], [sflag:$0x1], $0x1, s13, s8, $0xb8;
	[tilespmem:$0x1680] =	vst v63  }
0xfb: {  	_ = 	snop  }
0xfc: {  	[hbm4b:s2+s8] =	stream.indirect.scatter [tilespmem:s10], [sflag:$0x1], $0x1, s14, s8, $0xb8;
	[tilespmem:$0x1680] =	vst v63  }
0xfd: {  	_ = 	snop  }
0xfe: {  	[hbm4b:s2+s8] =	stream.indirect.scatter [tilespmem:s10], [sflag:$0x1], $0x1, s15, s8, $0xb8;
	[tilespmem:$0x1680] =	vst v63  }
0xff: {  	_ = 	snop  }
0x100: {  	[hbm4b:s2+s8] =	stream.indirect.scatter [tilespmem:s10], [sflag:$0x1], $0x1, s16, s8, $0xb8;
	[tilespmem:$0x1680] =	vst v63  }
0x101: {  	_ = 	snop  }
0x102: {  	[hbm4b:s2+s8] =	stream.indirect.scatter [tilespmem:s10], [sflag:$0x1], $0x1, s17, s8, $0xb8;
	[tilespmem:$0x1680] =	vst v63  }
0x103: {  	_ = 	snop  }
0x104: {  	[hbm4b:s2+s8] =	stream.indirect.scatter [tilespmem:s10], [sflag:$0x1], $0x1, s18, s8, $0xb8;
	[tilespmem:$0x1680] =	vst v63  }
0x105: {  	_ = 	snop  }
0x106: {  	[hbm4b:s2+s8] =	stream.indirect.scatter [tilespmem:s10], [sflag:$0x1], $0x1, s19, s8, $0xb8;
	[tilespmem:$0x1680] =	vst v63  }
0x107: {  	_ = 	snop  }
0x108: {  	[hbm4b:s2+s8] =	stream.indirect.scatter [tilespmem:s10], [sflag:$0x1], $0x1, s20, s8, $0xb8;
	[tilespmem:$0x1680] =	vst v63  }
0x109: {  	_ = 	snop  }
0x10a: {  	[hbm4b:s2+s8] =	stream.indirect.scatter [tilespmem:s10], [sflag:$0x1], $0x1, s21, s8, $0xb8;
	[tilespmem:$0x1680] =	vst v63  }
0x10b: {  	_ = 	snop  }
0x10c: {  	[hbm4b:s2+s8] =	stream.indirect.scatter [tilespmem:s10], [sflag:$0x1], $0x1, s22, s8, $0xb8;
	[tilespmem:$0x1680] =	vst v63  }
0x10d: {  	_ = 	snop  }
0x10e: {  	[hbm4b:s2+s8] =	stream.indirect.scatter [tilespmem:s10], [sflag:$0x1], $0x1, s23, s8, $0xb8;
	[tilespmem:$0x1680] =	vst v63  }
0x10f: {  	_ = 	snop  }
0x110: {  	[hbm4b:s2+s8] =	stream.indirect.scatter [tilespmem:s10], [sflag:$0x1], $0x1, s24, s8, $0xb8;
	[tilespmem:$0x1680] =	vst v63  }
0x111: {  	_ = 	snop  }
0x112: {  	[hbm4b:s2+s8] =	stream.indirect.scatter [tilespmem:s10], [sflag:$0x1], $0x1, s25, s8, $0xb8;
	[tilespmem:$0x1680] =	vst v63  }
0x113: {  	_ = 	snop  }
0x114: {  	[hbm4b:s2+s8] =	stream.indirect.scatter [tilespmem:s10], [sflag:$0x1], $0x1, s26, s8, $0xb8;
	[tilespmem:$0x1680] =	vst v63  }
0x115: {  	_ = 	snop  }
0x116: {  	[hbm4b:s2+s8] =	stream.indirect.scatter [tilespmem:s10], [sflag:$0x1], $0x1, s28, s8, $0xb8;
	[tilespmem:$0x1680] =	vst v63  }
0x117: {  	_ = 	snop  }
0x118: {  	[hbm4b:s2+s8] =	stream.indirect.scatter [tilespmem:s10], [sflag:$0x1], $0x1, s29, s8, $0xb8;
	[tilespmem:$0x1680] =	vst v63  }
0x119: {  	_ = 	snop  }
0x11a: {  	[hbm4b:s2+s8] =	stream.indirect.scatter [tilespmem:s10], [sflag:$0x1], $0x1, s30, s8, $0xb8;
	[tilespmem:$0x1680] =	vst v63  }
0x11b: {  	_ =	swait.ge [sflag:s31], $0x80  }
0x11c: {  	[sflag:s31] =	ssyncset.done $0x0  }
0x11d: {  	[sflag:s31] =	ssyncadd.s32 $0xFFFFFF80  }
0x11e: {  	_ =	swait.ge [sflag:s31], $0x80  }
0x11f: {  	[sflag:s31] =	ssyncset.done $0x0  }
0x120: {  	[sflag:s31] =	ssyncadd.s32 $0xFFFFFF80  }
0x121: {  	_ =	swait.ge [sflag:s31], $0x80  }
0x122: {  	[sflag:s31] =	ssyncset.done $0x0  }
0x123: {  	[sflag:s31] =	ssyncadd.s32 $0xFFFFFF80  }
0x124: {  	_ =	swait.ge [sflag:s31], $0x80  }
0x125: {  	[sflag:s31] =	ssyncset.done $0x0  }
0x126: {  	[sflag:s31] =	ssyncadd.s32 $0xFFFFFF80  }
0x127: {  	_ =	swait.ge [sflag:s31], $0x80  }
0x128: {  	[sflag:s31] =	ssyncset.done $0x0  }
0x129: {  	[sflag:s31] =	ssyncadd.s32 $0xFFFFFF80  }
0x12a: {  	_ =	swait.ge [sflag:s31], $0x80  }
0x12b: {  	[sflag:s31] =	ssyncset.done $0x0  }
0x12c: {  	[sflag:s31] =	ssyncadd.s32 $0xFFFFFF80  }
0x12d: {  	_ =	swait.ge [sflag:s31], $0x80  }
0x12e: {  	[sflag:s31] =	ssyncset.done $0x0  }
0x12f: {  	[sflag:s31] =	ssyncadd.s32 $0xFFFFFF80  }
0x130: {  	_ =	swait.ge [sflag:s31], $0x80  }
0x131: {  	[sflag:s31] =	ssyncset.done $0x0  }
0x132: {  	[sflag:s31] =	ssyncadd.s32 $0xFFFFFF80  }
0x133: {  	_ =	swait.ge [sflag:s31], $0x80  }
0x134: {  	[sflag:s31] =	ssyncset.done $0x0  }
0x135: {  	[sflag:s31] =	ssyncadd.s32 $0xFFFFFF80  }
0x136: {  	_ =	swait.ge [sflag:s31], $0x80  }
0x137: {  	[sflag:s31] =	ssyncset.done $0x0  }
0x138: {  	[sflag:s31] =	ssyncadd.s32 $0xFFFFFF80  }
0x139: {  	_ =	swait.ge [sflag:s31], $0x80  }
0x13a: {  	[sflag:s31] =	ssyncset.done $0x0  }
0x13b: {  	[sflag:s31] =	ssyncadd.s32 $0xFFFFFF80  }
0x13c: {  	_ =	swait.ge [sflag:s31], $0x80  }
0x13d: {  	[sflag:s31] =	ssyncset.done $0x0  }
0x13e: {  	[sflag:s31] =	ssyncadd.s32 $0xFFFFFF80  }
0x13f: {  	_ =	swait.ge [sflag:s31], $0x80  }
0x140: {  	[sflag:s31] =	ssyncset.done $0x0  }
0x141: {  	[sflag:s31] =	ssyncadd.s32 $0xFFFFFF80  }
0x142: {  	_ =	swait.ge [sflag:s31], $0x80  }
0x143: {  	[sflag:s31] =	ssyncset.done $0x0  }
0x144: {  	[sflag:s31] =	ssyncadd.s32 $0xFFFFFF80  }
0x145: {  	_ =	swait.ge [sflag:s31], $0x80  }
0x146: {  	[sflag:s31] =	ssyncset.done $0x0  }
0x147: {  	[sflag:s31] =	ssyncadd.s32 $0xFFFFFF80  }
0x148: {  	_ =	swait.ge [sflag:s31], $0x80  }
0x149: {  	[sflag:s31] =	ssyncset.done $0x0  }
0x14a: {  	[sflag:s31] =	ssyncadd.s32 $0xFFFFFF80  }
0x14b: {  	_ =	swait.ge [sflag:s31], $0x80  }
0x14c: {  	[sflag:s31] =	ssyncset.done $0x0  }
0x14d: {  	[sflag:s31] =	ssyncadd.s32 $0xFFFFFF80  }
0x14e: {  	_ =	swait.ge [sflag:s31], $0x80  }
0x14f: {  	[sflag:s31] =	ssyncset.done $0x0  }
0x150: {  	s1 =	sadd.s32 $0x1, s1;
	[sflag:s31] =	ssyncadd.s32 $0xFFFFFF80  }
0x151: {  	p0 =	sne.s32 s1, s5;
	_ =	swait.ge [sflag:s31], $0x80  }
.Ltmp1:
0x152: {  	[sflag:s31] =	ssyncset.done $0x0;
	(pc) =	sbr.rel @p0 .LBB2_1-.Ltmp1, $4  }
0x153: {  	[sflag:s31] =	ssyncadd.s32 $0xFFFFFF80  }
0x154: {  	_ =	swait.ge [sflag:s31], $0x80  }
0x155: {  	[sflag:s31] =	ssyncset.done $0x0  }
0x156: {  	[sflag:s31] =	ssyncadd.s32 $0xFFFFFF80  }
0x157: {  	_ =	sfence.sel $0x180000  }
0x158: {  	[bflag:$0x0] =	sbarrier.arrive $0xFFFF  }
0x159: {  	_ =	strace $0x90000047  }
0x15a: {  	s0 =	stileid.u32;
	[bflag:$0x2] =	sbarrier.arrive $0xFFFF  }
0x15b: {  	p0 =	sne.s32 s0, $0x0;
	s0 =	rddreg [dreg:$0x2]  }
0x15c: {  	s0 =	sadd.s32 @!p0 $0x100000, s0  }
0x15d: {  	[sflag:s0] =	ssyncadd.tile.s32 @!p0 $0x1;
	_ =	shalt  }
.Lfunc_end2:
_tile_overlayer_lowered:
.L_overlay_start_2:
0x15e: {  	(tag) =	ssettag $0x2  }
0x15f: {  	s0 =	rddreg [dreg:$0x0];
	s2 =	stileid.u32  }
0x160: {  	s1 =	rddreg [dreg:$0x1];
	p0 =	sne.s32 s2, $0x0  }
0x161: {  	s3 =	rddreg [dreg:$0x2];
	[bflag:$0x3] =	sbarrier.arrive $0xFFFF;
	s2 =	simm.s32 @!p0 $0x1C02  }
0x162: {  	[timem:s3], [sflag:s2] =	dma.local @!p0 [hbm:s0], s1  }
0x163: {  	s0 =	simm.s32 @!p0 $0x2  }
0x164: {  	_ =	swait.ge @!p0 [sflag:s0], s1  }
0x165: {  	s1 =	ssub.s32 @!p0 $0x0, s1;
	[sflag:s0] =	ssyncset.done @!p0 $0x0  }
0x166: {  	[sflag:s0] =	ssyncadd.s32 @!p0 s1  }
0x167: {  	[bflag:$0x3] =	sbarrier.arrive $0xFFFF  }
0x168: {  	_ =	shalt  }

// kernel: sparse-core-data-format-call.cloned.1.call-start
scs
called_computation_lowered:
.L_overlay_start_0:
0x0: {  	s2 =	sld [smem:$0x3FD9]  }
0x1: {  	s3 =	sld [smem:$0x3FFE];
	_ =	sdelay $0x1  }
0x2: {  	s1 =	srdreg.scid  }
0x3: {  	s0 =	sand.u32 $0x1, s1  }
0x4: {  	s18 =	sshll.u32 s0, $0xA;
	s2 =	sadd.s32 s3, s2  }
0x5: {  	s2 =	sadd.s32 s2, s18  }
0x6: {  	[smem:$0x3FC7] =	sst s2  }
0x7: {  	_ = 	snop  }
0x8: {  	s2 =	sld [smem:$0x3FD0];
	(tm) =	ssettm $0x1  }
0x9: {  	s19 =	sld [smem:$0x3FFB];
	_ =	sdelay $0x3  }
0xa: {  	_ =	strace s19  }
0xb: {  	s3 =	sld [smem:$0x3FFC];
	_ =	sdelay $0x3  }
0xc: {  	_ =	strace s3  }
0xd: {  	s3 =	sld [smem:$0x3FFD];
	_ =	sdelay $0x3  }
0xe: {  	_ =	strace s3  }
0xf: {  	_ =	strace $0x8FFFFFFF  }
0x10: {  	s20 =	sld [smem:$0x3FDB];
	_ =	sdelay $0x1  }
0x11: {  	s4 =	simm.s32 $_scs_section_size  }
0x12: {  	s5 =	simm.s32 $_size__tile_overlayer_lowered;
	s6 =	simm.s32 $_tile_overlayer_lowered  }
0x13: {  	s23 =	simm.s32 $0x1BFF;
	s22 =	sshll.u32 s6, $0x1;
	s3 =	sadd.s32 s4, s20  }
0x14: {  	s7 =	simm.s32 $0x0;
	s21 =	sshll.u32 s5, $0x1;
	s5 =	sadd.s32 s22, s3  }
0x15: {  	[timem:s7], [sflag:s23] =	dma.local [hbm:s5], s21  }
0x16: {  	_ =	swait.ge [sflag:s23], s21  }
0x17: {  	s4 =	ssub.s32 $0x0, s21;
	[sflag:s23] =	ssyncset.done $0x0  }
0x18: {  	[sflag:s23] =	ssyncadd.s32 s4;
	_ =	sdelay $0x1  }
0x19: {  	s24 =	simm.s32 $0x1B8B  }
0x1a: {  	_ =	swait.ge [sflag:s24], $0x1  }
0x1b: {  	[sflag:s24] =	ssyncset.done $0x0  }
0x1c: {  	s26 =	simm.s32 $0x1B8E;
	s25 =	sld [smem:$0x3FFE];
	[sflag:s24] =	ssyncadd.s32 $0xFFFFFFFF  }
0x1d: {  	s27 =	simm.s32 $execute0_lowered;
	[smem:$0x3FD2] =	sst s26  }
0x1e: {  	s5 =	sshll.u32 s27, $0x1;
	_ =	strace $0x80000049;
	[dreg:$0x1] =	wrdreg $0xFFFFFFFF  }
0x1f: {  	s28 =	simm.s32 $_size_execute0_lowered;
	s3 =	sadd.s32 s3, s5;
	[dreg:$0x0] =	wrdreg $0x0  }
0x20: {  	s5 =	sshll.u32 s28, $0x1;
	[dreg:$0x2] =	wrdreg s3  }
0x21: {  	[dreg:$0x3] =	wrdreg s5  }
0x22: {  	[dreg:$0x4] =	wrdreg $0xC0  }
0x23: {  	_ =	task [dreg:s7], $0x5FFFF  }
0x24: {  	[dreg:$0x1] =	wrdreg $0xFFFFFFFF  }
0x25: {  	[dreg:$0x0] =	wrdreg $0x60  }
0x26: {  	[dreg:$0x2] =	wrdreg s25  }
0x27: {  	[dreg:$0x3] =	wrdreg s2  }
0x28: {  	[dreg:$0x4] =	wrdreg $0x9  }
0x29: {  	_ =	task.clear_ibuf [dreg:s7], $0x5FFFF;
	_ =	strace $0x90000049  }
0x2a: {  	s29 =	simm.s32 $0x9;
	_ =	strace $0x8000004B  }
0x2b: {  	_ =	swait.ge [sflag:s29], $0x1  }
0x2c: {  	[sflag:s29] =	ssyncadd.s32 $0xFFFFFFFF  }
0x2d: {  	_ =	strace $0x9000004B  }
0x2e: {  	_ =	sfence  }
0x2f: {  	s30 =	sld [smem:$0x0];
	_ =	sdelay $0x2  }
0x30: {  	s31 =	sshll.u32 s1, $0xD;
	s1 =	sshrl.u32 s1, $0x2  }
0x31: {  	s3 =	sand.u32 $0x4000, s31;
	s1 =	sadd.s32 s1, s30  }
0x32: {  	s0 =	sor.u32 s3, s0;
	s1 =	sshll.u32 s1, $0x11  }
0x33: {  	s0 =	sor.u32 s1, s0  }
0x34: {  	s0 =	sadd.s32 $0x8F2B, s0  }
0x35: {  	[sflag:s0] =	ssyncadd.remote.s32 $0x1  }
0x36: {  	_ =	sfence.sel $0xFFFF  }
0x37: {  	[dreg:$0x0] =	wrdreg $0xFFFFFFFF;
	(pc) =	sbr.abs _section_cstart, $3  }
0x38: {  	[dreg:$0x1] =	wrdreg $0xFFFFFFFF  }
0x39: {  	_ =	task.clear_ibuf [dreg:s7], $0x2FFFF;
	_ =	strace $0x9FFFFFFF  }
0x3a: {  	(tm) =	ssettm $0x7FFFFFFF  }
0x3b: {  	_ =	shalt  }
tec
execute0_lowered:
.L_overlay_start_1:
0x0: {  	(tag) =	ssettag $0x1  }
0x1: {  	s0 =	srdreg.scid;
	s6 =	rddreg [dreg:$0x0]  }
0x2: {  	s3 =	rddreg [dreg:$0x1];
	s1 =	sshll.u32 s0, $0x4  }
0x3: {  	s5 =	simm.s32 $0x1;
	s0 =	stileid.u32;
	s1 =	sand.u32 $0x10, s1  }
0x4: {  	s31 =	simm.s32 $0x2;
	s18 =	simm.s32 $0x0;
	s1 =	sor.u32 s0, s1  }
0x5: {  	s8 =	simm.s32 $0x3E8000;
	s17 =	simm.s32 $0x0;
	s2 =	sshll.u32 s1, $0x7  }
0x6: {  	s16 =	simm.s32 $0x0;
	s9 =	simm.s32 $0x0;
	s4 =	ssub.s32 $0x1000, s2  }
0x7: {  	s10 =	simm.s32 $0x0;
	s11 =	simm.s32 $0x0;
	s30 =	sand.u32 $0xF80, s4  }
0x8: {  	s12 =	simm.s32 $0x0;
	s13 =	simm.s32 $0x0;
	p0 =	sne.s32 s30, $0x0  }
.Ltmp0:
0x9: {  	s7 =	sshrl.u32 s4, $0xC;
	s5 =	simm.s32 @!p0 $0x0;
	(pc) =	sbr.rel .LBB1_1-.Ltmp0, $4  }
0xa: {  	s15 =	simm.s32 $0x0;
	s1 =	rddreg [dreg:$0x2];
	s5 =	sadd.s32 s5, s7  }
0xb: {  	_ =	strace $0x8000004A;
	s4 =	simm.s32 $0x1;
	s5 =	smul.u32 $0xBB8, s5  }
0xc: {  	s6 =	sadd.s32 $0xA00, s6;
	s14 =	smov.u32 s2;
	[sflag:s4] =	ssyncpa.u1 $0x0  }
0xd: {  	[sflag:s31] =	ssyncpa.u1 $0x0;
	p0 =	por $0x0, $0x0;
	s7 =	sor.u32 $0x1, s5  }
.LBB1_4:
0xe: {  	s21 =	sshll.u32 s10, $0xC;
	s22 =	sshll.u32 s11, $0x3;
	p1 =	sgt.s32 s10, $0x3E7  }
0xf: {  	s24 =	smov.u32 s10;
	s25 =	sshra.s32 s10, $0x1F;
	s26 =	smov.u32 s9  }
0x10: {  	s27 =	sshra.s32 s11, $0x1F;
	s30 =	sshra.s32 s9, $0x1F;
	s21 =	sand.u32 $0xFFFF8000, s21  }
0x11: {  	s23 =	sand.u32 $0xFFFFFC00, s22;
	s24 =	simm.s32 @!p1 $0x3E7;
	p1 =	sgt.s32 s9, $0xC  }
0x12: {  	s25 =	sand.u32 s25, s10;
	s29 =	sand.u32 s27, s11;
	s27 =	sshll.u32 s10, $0x7  }
0x13: {  	s22 =	sand.u32 $0xC00, s22;
	s21 =	sadd.s32 s23, s21;
	s26 =	simm.s32 @!p1 $0xC  }
0x14: {  	s28 =	ssub.s32 s24, s25;
	p1 =	sgt.s32 s11, $0xF80;
	s25 =	smov.u32 s11  }
0x15: {  	s27 =	sand.u32 $0x380, s27;
	s24 =	sadd.s32 $0xFFFFFC19, s28;
	s25 =	simm.s32 @!p1 $0xF80  }
0x16: {  	s21 =	sshrl.u32 s21, $0xC;
	s23 =	ssub.s32 $0x3E8, s28;
	p1 =	sgt.s32 s24, $0x0  }
0x17: {  	s24 =	ssub.s32 s25, s29;
	s25 =	sand.u32 s30, s9;
	s29 =	smulhi.u32 $0x418938, s21  }
0x18: {  	s30 =	sand.u32 $0x78, s11;
	s25 =	ssub.s32 s26, s25;
	s23 =	simm.s32 @p1 $0x0  }
0x19: {  	s31 =	sadd.s32 $0xFFFFF080, s24;
	s24 =	ssub.s32 $0x1000, s24;
	s22 =	sor.u32 s30, s22  }
0x1a: {  	p1 =	sgt.s32 s31, $0x7F;
	s28 =	sadd.s32 $0xFFFFFFF4, s25;
	s26 =	smul.u32 $0x3E8, s29  }
0x1b: {  	s25 =	ssub.s32 $0x14, s25;
	s31 =	smul.u32 $0x7D000, s9;
	s24 =	simm.s32 @p1 $0x0  }
0x1c: {  	s22 =	sor.u32 s27, s22;
	p1 =	sgt.s32 s28, $0x7;
	s23 =	smul.u32 s24, s23  }
0x1d: {  	s22 =	sshrl.u32 s22, $0x3;
	s28 =	sand.u32 $0x7, s11;
	s25 =	simm.s32 @p1 $0x0  }
0x1e: {  	s21 =	ssub.s32 s21, s26;
	s24 =	sadd.s32 s3, s31;
	s23 =	smul.u32 s25, s23  }
0x1f: {  	s29 =	sshll.u32 s28, $0x12;
	s21 =	sshll.u32 s21, $0x9;
	s22 =	sadd.s32 s22, s24  }
0x20: {  	[tilespmem:s20+$0x0 ss:$0x81] =	vst.msk $0xff, v0;
	s31 =	sor.u32 $0x80, s29;
	s21 =	sadd.s32 s21, s22;
	s30 =	sand.u32 $0x3FFFFFFF, s23  }
0x21: {  	[hbm4b:s21+s31] =	stream.strided.scatter [tilespmem:s19], [sflag:$0x2], s30, s8, s31, $0x20;
	[tilespmem:$0x1010] =	vst v63  }
.LBB1_5:
0x22: {  	p1 =	slt.u32 s15, $0x2  }
0x23: {  	p2 =	sgt.s32 @!p1 s18, $0xC  }
0x24: {  	s19 =	smov.u32 s18;
	s20 =	sshra.s32 @!p1 s18, $0x1F;
	p2 =	por !p2, p1  }
0x25: {  	s18 =	sand.u32 @!p1 s20, s18;
	s19 =	simm.s32 @p2 $0xC  }
0x26: {  	s20 =	sshra.s32 @!p1 s17, $0x1F;
	p2 =	sgt.s32 @!p1 s17, $0x3E7;
	s18 =	ssub.s32 @!p1 s19, s18  }
0x27: {  	p2 =	por !p2, p1;
	s19 =	smov.u32 s17;
	s17 =	sand.u32 @!p1 s20, s17  }
0x28: {  	s20 =	sshra.s32 @!p1 s16, $0x1F;
	s19 =	simm.s32 @p2 $0x3E7;
	p2 =	sgt.s32 @!p1 s16, $0xF80  }
0x29: {  	s17 =	ssub.s32 @!p1 s19, s17;
	p2 =	por !p2, p1;
	s19 =	smov.u32 s16  }
0x2a: {  	s16 =	sand.u32 @!p1 s20, s16;
	s20 =	sadd.s32 @!p1 $0xFFFFFC19, s17;
	s19 =	simm.s32 @p2 $0xF80  }
0x2b: {  	p2 =	sgt.s32 @!p1 s20, $0x0;
	s16 =	ssub.s32 @!p1 s19, s16  }
0x2c: {  	s17 =	ssub.s32 @!p1 $0x3E8, s17;
	p2 =	por !p2, p1;
	s19 =	sadd.s32 @!p1 $0xFFFFF080, s16  }
0x2d: {  	s17 =	simm.s32 @!p2 $0x0;
	p2 =	sgt.s32 @!p1 s19, $0x7F  }
0x2e: {  	s21 =	smov.u32 s14;
	s16 =	ssub.s32 @!p1 $0x1000, s16;
	p2 =	por !p2, p1  }
0x2f: {  	s20 =	sadd.s32 @!p1 $0xFFFFFFF4, s18;
	s19 =	sadd.s32 $0x8, s12;
	s16 =	simm.s32 @!p2 $0x0  }
0x30: {  	p2 =	sgt.s32 s19, $0x13;
	s16 =	smul.u32 @!p1 s16, s17;
	s17 =	simm.s32 $0x1  }
0x31: {  	p0 =	por !p0, !p0;
	p3 =	sgt.s32 @!p1 s20, $0x7;
	s17 =	simm.s32 @!p2 $0x0  }
0x32: {  	s18 =	ssub.s32 @!p1 $0x14, s18;
	p3 =	por !p3, p1;
	s20 =	sadd.s32 s17, s13  }
0x33: {  	s18 =	simm.s32 @!p3 $0x0;
	s17 =	sadd.s32 $0x1000, s14;
	p3 =	sgt.s32 s20, $0x3E7  }
0x34: {  	s22 =	simm.s32 @!p1 $0x2;
	s19 =	simm.s32 @p2 $0x0;
	s21 =	smov.u32 @p3 s17  }
0x35: {  	s16 =	smul.u32 @!p1 s18, s16;
	s18 =	smov.u32 s9;
	p2 =	sgt.s32 s21, $0xFFF  }
0x36: {  	s9 =	smov.u32 s12;
	s21 =	smov.u32 @p2 s2;
	p2 =	sne.s32 s15, s7  }
.Ltmp1:
0x37: {  	s12 =	smov.u32 s19;
	s16 =	sand.u32 @!p1 $0x3FFFFFFF, s16;
	(pc) =	sbr.rel @!p2 .LBB1_6-.Ltmp1, $4  }
0x38: {  	s20 =	simm.s32 @p3 $0x0;
	s17 =	smov.u32 s10;
	s10 =	smov.u32 s13  }
0x39: {  	_ =	swait.ge @!p1 [sflag:s22], s16;
	s23 =	ssub.s32 @!p1 $0x0, s16;
	s16 =	smov.u32 s11  }
0x3a: {  	s11 =	smov.u32 s14;
	s13 =	smov.u32 s20;
	[sflag:s22] =	ssyncset.done @!p1 $0x0  }
0x3b: {  	s15 =	sadd.s32 $0x1, s15;
	[sflag:s22] =	ssyncadd.s32 @!p1 s23;
	s14 =	smov.u32 s21  }
.LBB1_1:
0x3c: {  	p1 =	sge.u32 s15, s5  }
0x3d: {  	s19 =	sshll.u32 @!p1 s13, $0x7;
	s20 =	sshll.u32 @!p1 s12, $0x3  }
0x3e: {  	s21 =	sand.u32 @!p1 $0xFFFFFC00, s19;
	s20 =	sand.u32 @!p1 $0xFFFFFC00, s20  }
0x3f: {  	s19 =	sand.u32 @!p1 $0x380, s19;
	s20 =	sadd.s32 @!p1 s21, s20  }
0x40: {  	s19 =	sor.u32 @!p1 s19, s20  }
0x41: {  	s19 =	sshrl.u32 @!p1 s19, $0x7  }
0x42: {  	s20 =	smulhi.u32 @!p1 $0x20C49BB, s19;
	_ =	sdelay $0x1  }
0x43: {  	s20 =	sshrl.u32 @!p1 s20, $0x3  }
0x44: {  	s20 =	smul.u32 @!p1 $0x3E8, s20  }
0x45: {  	s21 =	smul.u32 @!p1 $0x3E80, s14  }
0x46: {  	s31 =	sadd.s32 $0xFFFFFFFF, s15;
	s19 =	ssub.s32 @!p1 s19, s20;
	s20 =	sshrl.u32 @!p1 s12, $0x3  }
0x47: {  	s22 =	sxor.u32 @!p1 $0xFFFFFFFF, s15;
	s21 =	sadd.s32 @!p1 s6, s21;
	s20 =	sand.u32 @!p1 $0xF, s20  }
0x48: {  	s22 =	sshll.u32 @!p1 s22, $0xA;
	s20 =	sadd.s32 @!p1 s20, s21;
	s21 =	sand.u32 @!p1 $0x7, s12  }
0x49: {  	s22 =	sand.u32 @!p1 $0x400, s22;
	s19 =	sshll.u32 @!p1 s19, $0x4;
	s21 =	sshll.u32 @!p1 s21, $0x12  }
0x4a: {  	s19 =	sadd.s32 @!p1 s19, s20;
	s20 =	sor.u32 @!p1 $0x8, s21;
	s21 =	simm.s32 @!p1 $0x1F400  }
0x4b: {  	[tilespmem:s22], [sflag:$0x1] =	stream.strided.gather @!p1 [hbm4b:s19+s20], $0x400, s21, s20, $0x38;
	[tilespmem:$0x1010] =	vst v63  }
0x4c: {  	p1 =	sge.u32 s31, s5  }
.Ltmp2:
0x4d: {  	_ = 	snop;
	(pc) =	sbr.rel @p1 .LBB1_5-.Ltmp2, $1  }
0x4e: {  	_ =	sdelay $0x3  }
0x4f: {  	s19 =	simm.s32 $0x1  }
0x50: {  	s19 =	simm.s32 @!p0 $0x0  }
0x51: {  	s20 =	sshll.u32 s19, $0xA  }
0x52: {  	v1 =	vmov s20;
	_ =	sdelay $0x1  }
0x53: {  	_ =	swait.ge [sflag:s4], $0x400  }
0x54: {  	s31 =	sand.u32 $0x1, s15;
	[sflag:s4] =	ssyncset.done $0x0  }
0x55: {  	s22 =	simm.s32 $0x0;
	s19 =	smul.u32 $0x1020, s19;
	[sflag:s4] =	ssyncadd.s32 $0xFFFFFC00  }
0x56: {  	s20 =	smul.u32 $0x1020, s31;
	v0 =	vld.idx.msk [tilespmem:v1+s22+$0x0 ss:$0x1], $0xff;
	_ =	sdelay $0x1  }
0x57: {  	s19 =	sshrl.u32 s19, $0x2;
	s21 =	sshrl.u32 s20, $0x2  }
0x58: {  	s20 =	sor.u32 $0x800, s19;
	s19 =	sor.u32 $0x800, s21;
	s21 =	simm.s32 $0x20  }
.LBB1_3:
0x59: {  	s22 =	sshra.s32 s21, $0x2;
	p1 =	sne.s32 s21, $0xFE0;
	s21 =	sadd.s32 $0x20, s21  }
.Ltmp3:
0x5a: {  	[tilespmem:s20+$0x0 ss:$0x81] =	vst.msk $0xff, v0;
	v0 =	vld.idx.msk [tilespmem:v1+s22+$0x0 ss:$0x1], $0xff;
	(pc) =	sbr.rel @p1 .LBB1_3-.Ltmp3, $2  }
0x5b: {  	_ =	sdelay $0x2  }
0x5c: {  	s20 =	sadd.s32 $0x1, s20  }
.Ltmp4:
0x5d: {  	_ = 	snop;
	(pc) =	sbr.rel .LBB1_4-.Ltmp4, $1  }
0x5e: {  	_ =	sdelay $0x3  }
.LBB1_6:
0x5f: {  	_ =	sfence.sel $0x180000  }
0x60: {  	s2 =	simm.s32 $0x1;
	[bflag:$0x0] =	sbarrier.arrive $0xFFFF  }
0x61: {  	s31 =	simm.s32 $0x2;
	[sflag:s2] =	ssyncpa.u1 $0x1  }
0x62: {  	[sflag:s31] =	ssyncpa.u1 $0x1  }
0x63: {  	p0 =	sne.s32 s0, $0x0;
	_ =	strace $0x9000004A  }
0x64: {  	s0 =	sadd.s32 @!p0 $0x100000, s1;
	[bflag:$0x2] =	sbarrier.arrive $0xFFFF  }
0x65: {  	[sflag:s0] =	ssyncadd.tile.s32 @!p0 $0x1;
	_ =	shalt  }
.Lfunc_end1:
_tile_overlayer_lowered:
.L_overlay_start_2:
0x66: {  	(tag) =	ssettag $0x2  }
0x67: {  	s0 =	rddreg [dreg:$0x0];
	s2 =	stileid.u32  }
0x68: {  	s1 =	rddreg [dreg:$0x1];
	p0 =	sne.s32 s2, $0x0  }
0x69: {  	s3 =	rddreg [dreg:$0x2];
	[bflag:$0x3] =	sbarrier.arrive $0xFFFF;
	s2 =	simm.s32 @!p0 $0x1C01  }
0x6a: {  	[timem:s3], [sflag:s2] =	dma.local @!p0 [hbm:s0], s1  }
0x6b: {  	s0 =	simm.s32 @!p0 $0x1  }
0x6c: {  	_ =	swait.ge @!p0 [sflag:s0], s1  }
0x6d: {  	s1 =	ssub.s32 @!p0 $0x0, s1;
	[sflag:s0] =	ssyncset.done @!p0 $0x0  }
0x6e: {  	[sflag:s0] =	ssyncadd.s32 @!p0 s1  }
0x6f: {  	[bflag:$0x3] =	sbarrier.arrive $0xFFFF  }
0x70: {  	_ =	shalt  }

</sc_bundles>
